<compile_context>
chip_gen: v7x
topology: tpu7x:2x2x1
jax: 0.10.2.dev20260603
libtpu: 0.0.44.dev20260713+nightly
codegen_flags: <defaults>
</compile_context>

<pallas_src>
import functools

import jax
import jax.numpy as jnp
from jax import lax
from jax.experimental import pallas as pl
from jax.experimental.pallas import tpu as pltpu
from jax.experimental.pallas import tpu_sc as plsc

_B, _N, _D = 4, 8192, 1024
_NC, _NS = 2, 16
_NW = _NC * _NS
_RPW = _N // _NW
_C = 8
_CHUNKS = _RPW // _C
_DV = _D // 16
_L = 16


def _sc_body(x_hbm, pe_hbm, out_hbm, *refs):
    xbs = [[refs[p * _B + b] for b in range(_B)] for p in range(2)]
    pebs = list(refs[8:10])
    in_sems = [[refs[10 + p * _B + b] for b in range(_B)] for p in range(2)]
    out_sems = [[refs[18 + p * _B + b] for b in range(_B)] for p in range(2)]
    pe_sems = list(refs[26:28])

    wid = lax.axis_index("s") * _NC + lax.axis_index("c")
    n_base = wid * _RPW

    def rows(j):
        return pl.ds(n_base + j * _C, _C)

    def in_copy(j, b, p):
        return pltpu.make_async_copy(
            x_hbm.at[b, rows(j), :], xbs[p][b], in_sems[p][b])

    def out_copy(j, b, p):
        return pltpu.make_async_copy(
            xbs[p][b], out_hbm.at[b, rows(j), :], out_sems[p][b])

    def pe_copy(j, p):
        return pltpu.make_async_copy(pe_hbm.at[rows(j), :], pebs[p], pe_sems[p])

    def add_chunk(j, p):
        peb = pebs[p]

        for b in range(_B):
            xb = xbs[p][b]
            in_copy(j, b, p).wait()

            @plsc.parallel_loop(0, _C * _DV, unroll=8)
            def _vec(v):
                r = v // _DV
                off = (v % _DV) * _L
                plsc.addupdate(xb.at[r, pl.ds(off, _L)],
                               peb[r, pl.ds(off, _L)])

    pe_copy(0, 0).start()
    pe_copy(1, 1).start()
    for b in range(_B):
        in_copy(0, b, 0).start()
    for b in range(_B):
        in_copy(1, b, 1).start()

    @pl.loop(0, _CHUNKS // 2)
    def _pair(u):
        j0 = 2 * u
        j1 = 2 * u + 1
        last = u == _CHUNKS // 2 - 1

        @pl.when(u > 0)
        def _():
            for b in range(_B):
                out_copy(j0 - 1, b, 1).wait()
                in_copy(j1, b, 1).start()
        pe_copy(j0, 0).wait()
        add_chunk(j0, 0)
        for b in range(_B):
            out_copy(j0, b, 0).start()

        @pl.when(jnp.logical_not(last))
        def _():
            pe_copy(j0 + 2, 0).start()

        for b in range(_B):
            out_copy(j0, b, 0).wait()
            @pl.when(jnp.logical_not(last))
            def _():
                in_copy(j0 + 2, b, 0).start()
        pe_copy(j1, 1).wait()
        add_chunk(j1, 1)
        for b in range(_B):
            out_copy(j1, b, 1).start()

        @pl.when(jnp.logical_not(last))
        def _():
            pe_copy(j1 + 2, 1).start()

    for b in range(_B):
        out_copy(_CHUNKS - 1, b, 1).wait()


_sc_add = functools.partial(
    pl.kernel,
    out_type=jax.ShapeDtypeStruct((_B, _N, _D), jnp.float32),
    mesh=plsc.VectorSubcoreMesh(
        core_axis_name="c", subcore_axis_name="s",
        num_cores=_NC, num_subcores=_NS,
    ),
    scratch_types=(
        [pltpu.VMEM((_C, _D), jnp.float32) for _ in range(10)]
        + [pltpu.SemaphoreType.DMA for _ in range(18)]
    ),
)(_sc_body)


def kernel(x, pos_emb):
    B, N, D = x.shape
    return _sc_add(x, pos_emb[:N])

# --- scband reference (transcript-rebuilt; emitter-appended) ---
"""Pipeline reference for scband-learned-positional-encoding-40278203302577 (READ-ONLY COPY).

The authoritative reference and input builder live on the scoring server;
editing this copy changes nothing except your own understanding.
"""

import jax, jax.numpy as jnp
import numpy as np

MAX_LEN = 8192
D_MODEL = 1024
B, N, D = 4, 8192, 1024

def setup_inputs(seed: int = 0) -> dict:
    key = jax.random.key(seed)
    k1, k2 = jax.random.split(key)
    x = jax.random.normal(k1, (B, N, D), dtype=jnp.float32)
    pos_emb = jax.random.normal(k2, (MAX_LEN, D_MODEL), dtype=jnp.float32) * 0.02
    return {"x": x, "pos_emb": pos_emb}

def reference(x, pos_emb):
    # pos = arange(N)[None, :]; embedding lookup then broadcast-add
    Bc, Nc, Dc = x.shape
    pos = jnp.arange(Nc)
    pe = jnp.take(pos_emb, pos, axis=0)  # [N, D]
    out = x + pe[None, :, :]
    # dropout in eval mode is identity
    return out

if __name__ == "__main__":
    import jax
    _d = setup_inputs()
    print(jax.jit(kernel)(*tuple(_d.values())))

</pallas_src>

<mosaic_0001>
#map = affine_map<(d0, d1) -> (0, 0, 0)>
#map1 = affine_map<(d0, d1) -> (0, 0)>
module attributes {stable_mosaic.version = 14 : i64} {
  func.func @_sc_body(%arg0: i32, %arg1: i32, %arg2: memref<4x8192x1024xf32, #tpu.memory_space<hbm>>, %arg3: memref<8192x1024xf32, #tpu.memory_space<hbm>>, %arg4: memref<4x8192x1024xf32, #tpu.memory_space<hbm>>, %arg5: memref<8x1024xf32, #tpu.memory_space<vmem>>, %arg6: memref<8x1024xf32, #tpu.memory_space<vmem>>, %arg7: memref<8x1024xf32, #tpu.memory_space<vmem>>, %arg8: memref<8x1024xf32, #tpu.memory_space<vmem>>, %arg9: memref<8x1024xf32, #tpu.memory_space<vmem>>, %arg10: memref<8x1024xf32, #tpu.memory_space<vmem>>, %arg11: memref<8x1024xf32, #tpu.memory_space<vmem>>, %arg12: memref<8x1024xf32, #tpu.memory_space<vmem>>, %arg13: memref<8x1024xf32, #tpu.memory_space<vmem>>, %arg14: memref<8x1024xf32, #tpu.memory_space<vmem>>, %arg15: memref<!tpu.dma_semaphore, #tpu.memory_space<semaphore_mem>>, %arg16: memref<!tpu.dma_semaphore, #tpu.memory_space<semaphore_mem>>, %arg17: memref<!tpu.dma_semaphore, #tpu.memory_space<semaphore_mem>>, %arg18: memref<!tpu.dma_semaphore, #tpu.memory_space<semaphore_mem>>, %arg19: memref<!tpu.dma_semaphore, #tpu.memory_space<semaphore_mem>>, %arg20: memref<!tpu.dma_semaphore, #tpu.memory_space<semaphore_mem>>, %arg21: memref<!tpu.dma_semaphore, #tpu.memory_space<semaphore_mem>>, %arg22: memref<!tpu.dma_semaphore, #tpu.memory_space<semaphore_mem>>, %arg23: memref<!tpu.dma_semaphore, #tpu.memory_space<semaphore_mem>>, %arg24: memref<!tpu.dma_semaphore, #tpu.memory_space<semaphore_mem>>, %arg25: memref<!tpu.dma_semaphore, #tpu.memory_space<semaphore_mem>>, %arg26: memref<!tpu.dma_semaphore, #tpu.memory_space<semaphore_mem>>, %arg27: memref<!tpu.dma_semaphore, #tpu.memory_space<semaphore_mem>>, %arg28: memref<!tpu.dma_semaphore, #tpu.memory_space<semaphore_mem>>, %arg29: memref<!tpu.dma_semaphore, #tpu.memory_space<semaphore_mem>>, %arg30: memref<!tpu.dma_semaphore, #tpu.memory_space<semaphore_mem>>, %arg31: memref<!tpu.dma_semaphore, #tpu.memory_space<semaphore_mem>>, %arg32: memref<!tpu.dma_semaphore, #tpu.memory_space<semaphore_mem>>) attributes {dimension_semantics = [#tpu.dimension_semantics<core_parallel>, #tpu.dimension_semantics<subcore_parallel>], iteration_bounds = array<i64: 2, 16>, scalar_prefetch = 0 : i64, scratch_operands = 28 : i64, tpu.core_type = #tpu.core_type<sc_vector_subcore>, window_params = [{transform_indices = #map}, {transform_indices = #map1}, {transform_indices = #map}]} {
    %mul3A = arith.constant 2 : i32
    %mul3A_0 = arith.muli %arg1, %mul3A : i32
    %add3A = arith.addi %mul3A_0, %arg0 : i32
    %mul3A_1 = arith.constant 256 : i32
    %mul3A_2 = arith.muli %add3A, %mul3A_1 : i32
    %add3A_3 = arith.constant 0 : i32
    %add3A_4 = arith.addi %mul3A_2, %add3A_3 : i32
    %dma_start3A = arith.constant 0 : i32
    %dma_start3A_5 = tpu.memref_slice %arg3[%add3A_4, %dma_start3A] : memref<8192x1024xf32, #tpu.memory_space<hbm>> -> memref<8x1024xf32, #tpu.memory_space<hbm>>
    %dma_start3A_6 = arith.constant 0 : i32
    %dma_start3A_7 = tpu.memref_slice %arg3[%add3A_4, %dma_start3A_6] : memref<8192x1024xf32, #tpu.memory_space<hbm>> -> memref<8x1024xf32, #tpu.memory_space<hbm>>
    tpu.enqueue_dma source(%dma_start3A_7 : memref<8x1024xf32, #tpu.memory_space<hbm>>) target(%arg13 : memref<8x1024xf32, #tpu.memory_space<vmem>>) target_semaphore(%arg31 : memref<!tpu.dma_semaphore, #tpu.memory_space<semaphore_mem>>)
    %add3A_8 = arith.constant 8 : i32
    %add3A_9 = arith.addi %mul3A_2, %add3A_8 : i32
    %dma_start3A_10 = arith.constant 0 : i32
    %dma_start3A_11 = tpu.memref_slice %arg3[%add3A_9, %dma_start3A_10] : memref<8192x1024xf32, #tpu.memory_space<hbm>> -> memref<8x1024xf32, #tpu.memory_space<hbm>>
    %dma_start3A_12 = arith.constant 0 : i32
    %dma_start3A_13 = tpu.memref_slice %arg3[%add3A_9, %dma_start3A_12] : memref<8192x1024xf32, #tpu.memory_space<hbm>> -> memref<8x1024xf32, #tpu.memory_space<hbm>>
    tpu.enqueue_dma source(%dma_start3A_13 : memref<8x1024xf32, #tpu.memory_space<hbm>>) target(%arg14 : memref<8x1024xf32, #tpu.memory_space<vmem>>) target_semaphore(%arg32 : memref<!tpu.dma_semaphore, #tpu.memory_space<semaphore_mem>>)
    %add3A_14 = arith.constant 0 : i32
    %add3A_15 = arith.addi %mul3A_2, %add3A_14 : i32
    %dma_start3A_16 = arith.constant 0 : i32
    %dma_start3A_17 = arith.constant 0 : i32
    %dma_start3A_18 = tpu.memref_slice %arg2[%dma_start3A_16, %add3A_15, %dma_start3A_17] : memref<4x8192x1024xf32, #tpu.memory_space<hbm>> -> memref<1x8x1024xf32, #tpu.memory_space<hbm>>
    %dma_start3A_19 = tpu.memref_squeeze %dma_start3A_18 : memref<1x8x1024xf32, #tpu.memory_space<hbm>> -> memref<8x1024xf32, #tpu.memory_space<hbm>>
    %dma_start3A_20 = arith.constant 0 : i32
    %dma_start3A_21 = tpu.memref_slice %arg2[%dma_start3A_16, %add3A_15, %dma_start3A_20] : memref<4x8192x1024xf32, #tpu.memory_space<hbm>> -> memref<1x8x1024xf32, #tpu.memory_space<hbm>>
    %dma_start3A_22 = tpu.memref_squeeze %dma_start3A_21 : memref<1x8x1024xf32, #tpu.memory_space<hbm>> -> memref<8x1024xf32, #tpu.memory_space<hbm>>
    tpu.enqueue_dma source(%dma_start3A_22 : memref<8x1024xf32, #tpu.memory_space<hbm>>) target(%arg5 : memref<8x1024xf32, #tpu.memory_space<vmem>>) target_semaphore(%arg15 : memref<!tpu.dma_semaphore, #tpu.memory_space<semaphore_mem>>)
    %add3A_23 = arith.constant 0 : i32
    %add3A_24 = arith.addi %mul3A_2, %add3A_23 : i32
    %dma_start3A_25 = arith.constant 1 : i32
    %dma_start3A_26 = arith.constant 0 : i32
    %dma_start3A_27 = tpu.memref_slice %arg2[%dma_start3A_25, %add3A_24, %dma_start3A_26] : memref<4x8192x1024xf32, #tpu.memory_space<hbm>> -> memref<1x8x1024xf32, #tpu.memory_space<hbm>>
    %dma_start3A_28 = tpu.memref_squeeze %dma_start3A_27 : memref<1x8x1024xf32, #tpu.memory_space<hbm>> -> memref<8x1024xf32, #tpu.memory_space<hbm>>
    %dma_start3A_29 = arith.constant 0 : i32
    %dma_start3A_30 = tpu.memref_slice %arg2[%dma_start3A_25, %add3A_24, %dma_start3A_29] : memref<4x8192x1024xf32, #tpu.memory_space<hbm>> -> memref<1x8x1024xf32, #tpu.memory_space<hbm>>
    %dma_start3A_31 = tpu.memref_squeeze %dma_start3A_30 : memref<1x8x1024xf32, #tpu.memory_space<hbm>> -> memref<8x1024xf32, #tpu.memory_space<hbm>>
    tpu.enqueue_dma source(%dma_start3A_31 : memref<8x1024xf32, #tpu.memory_space<hbm>>) target(%arg6 : memref<8x1024xf32, #tpu.memory_space<vmem>>) target_semaphore(%arg16 : memref<!tpu.dma_semaphore, #tpu.memory_space<semaphore_mem>>)
    %add3A_32 = arith.constant 0 : i32
    %add3A_33 = arith.addi %mul3A_2, %add3A_32 : i32
    %dma_start3A_34 = arith.constant 2 : i32
    %dma_start3A_35 = arith.constant 0 : i32
    %dma_start3A_36 = tpu.memref_slice %arg2[%dma_start3A_34, %add3A_33, %dma_start3A_35] : memref<4x8192x1024xf32, #tpu.memory_space<hbm>> -> memref<1x8x1024xf32, #tpu.memory_space<hbm>>
    %dma_start3A_37 = tpu.memref_squeeze %dma_start3A_36 : memref<1x8x1024xf32, #tpu.memory_space<hbm>> -> memref<8x1024xf32, #tpu.memory_space<hbm>>
    %dma_start3A_38 = arith.constant 0 : i32
    %dma_start3A_39 = tpu.memref_slice %arg2[%dma_start3A_34, %add3A_33, %dma_start3A_38] : memref<4x8192x1024xf32, #tpu.memory_space<hbm>> -> memref<1x8x1024xf32, #tpu.memory_space<hbm>>
    %dma_start3A_40 = tpu.memref_squeeze %dma_start3A_39 : memref<1x8x1024xf32, #tpu.memory_space<hbm>> -> memref<8x1024xf32, #tpu.memory_space<hbm>>
    tpu.enqueue_dma source(%dma_start3A_40 : memref<8x1024xf32, #tpu.memory_space<hbm>>) target(%arg7 : memref<8x1024xf32, #tpu.memory_space<vmem>>) target_semaphore(%arg17 : memref<!tpu.dma_semaphore, #tpu.memory_space<semaphore_mem>>)
    %add3A_41 = arith.constant 0 : i32
    %add3A_42 = arith.addi %mul3A_2, %add3A_41 : i32
    %dma_start3A_43 = arith.constant 3 : i32
    %dma_start3A_44 = arith.constant 0 : i32
    %dma_start3A_45 = tpu.memref_slice %arg2[%dma_start3A_43, %add3A_42, %dma_start3A_44] : memref<4x8192x1024xf32, #tpu.memory_space<hbm>> -> memref<1x8x1024xf32, #tpu.memory_space<hbm>>
    %dma_start3A_46 = tpu.memref_squeeze %dma_start3A_45 : memref<1x8x1024xf32, #tpu.memory_space<hbm>> -> memref<8x1024xf32, #tpu.memory_space<hbm>>
    %dma_start3A_47 = arith.constant 0 : i32
    %dma_start3A_48 = tpu.memref_slice %arg2[%dma_start3A_43, %add3A_42, %dma_start3A_47] : memref<4x8192x1024xf32, #tpu.memory_space<hbm>> -> memref<1x8x1024xf32, #tpu.memory_space<hbm>>
    %dma_start3A_49 = tpu.memref_squeeze %dma_start3A_48 : memref<1x8x1024xf32, #tpu.memory_space<hbm>> -> memref<8x1024xf32, #tpu.memory_space<hbm>>
    tpu.enqueue_dma source(%dma_start3A_49 : memref<8x1024xf32, #tpu.memory_space<hbm>>) target(%arg8 : memref<8x1024xf32, #tpu.memory_space<vmem>>) target_semaphore(%arg18 : memref<!tpu.dma_semaphore, #tpu.memory_space<semaphore_mem>>)
    %add3A_50 = arith.constant 8 : i32
    %add3A_51 = arith.addi %mul3A_2, %add3A_50 : i32
    %dma_start3A_52 = arith.constant 0 : i32
    %dma_start3A_53 = arith.constant 0 : i32
    %dma_start3A_54 = tpu.memref_slice %arg2[%dma_start3A_52, %add3A_51, %dma_start3A_53] : memref<4x8192x1024xf32, #tpu.memory_space<hbm>> -> memref<1x8x1024xf32, #tpu.memory_space<hbm>>
    %dma_start3A_55 = tpu.memref_squeeze %dma_start3A_54 : memref<1x8x1024xf32, #tpu.memory_space<hbm>> -> memref<8x1024xf32, #tpu.memory_space<hbm>>
    %dma_start3A_56 = arith.constant 0 : i32
    %dma_start3A_57 = tpu.memref_slice %arg2[%dma_start3A_52, %add3A_51, %dma_start3A_56] : memref<4x8192x1024xf32, #tpu.memory_space<hbm>> -> memref<1x8x1024xf32, #tpu.memory_space<hbm>>
    %dma_start3A_58 = tpu.memref_squeeze %dma_start3A_57 : memref<1x8x1024xf32, #tpu.memory_space<hbm>> -> memref<8x1024xf32, #tpu.memory_space<hbm>>
    tpu.enqueue_dma source(%dma_start3A_58 : memref<8x1024xf32, #tpu.memory_space<hbm>>) target(%arg9 : memref<8x1024xf32, #tpu.memory_space<vmem>>) target_semaphore(%arg19 : memref<!tpu.dma_semaphore, #tpu.memory_space<semaphore_mem>>)
    %add3A_59 = arith.constant 8 : i32
    %add3A_60 = arith.addi %mul3A_2, %add3A_59 : i32
    %dma_start3A_61 = arith.constant 1 : i32
    %dma_start3A_62 = arith.constant 0 : i32
    %dma_start3A_63 = tpu.memref_slice %arg2[%dma_start3A_61, %add3A_60, %dma_start3A_62] : memref<4x8192x1024xf32, #tpu.memory_space<hbm>> -> memref<1x8x1024xf32, #tpu.memory_space<hbm>>
    %dma_start3A_64 = tpu.memref_squeeze %dma_start3A_63 : memref<1x8x1024xf32, #tpu.memory_space<hbm>> -> memref<8x1024xf32, #tpu.memory_space<hbm>>
    %dma_start3A_65 = arith.constant 0 : i32
    %dma_start3A_66 = tpu.memref_slice %arg2[%dma_start3A_61, %add3A_60, %dma_start3A_65] : memref<4x8192x1024xf32, #tpu.memory_space<hbm>> -> memref<1x8x1024xf32, #tpu.memory_space<hbm>>
    %dma_start3A_67 = tpu.memref_squeeze %dma_start3A_66 : memref<1x8x1024xf32, #tpu.memory_space<hbm>> -> memref<8x1024xf32, #tpu.memory_space<hbm>>
    tpu.enqueue_dma source(%dma_start3A_67 : memref<8x1024xf32, #tpu.memory_space<hbm>>) target(%arg10 : memref<8x1024xf32, #tpu.memory_space<vmem>>) target_semaphore(%arg20 : memref<!tpu.dma_semaphore, #tpu.memory_space<semaphore_mem>>)
    %add3A_68 = arith.constant 8 : i32
    %add3A_69 = arith.addi %mul3A_2, %add3A_68 : i32
    %dma_start3A_70 = arith.constant 2 : i32
    %dma_start3A_71 = arith.constant 0 : i32
    %dma_start3A_72 = tpu.memref_slice %arg2[%dma_start3A_70, %add3A_69, %dma_start3A_71] : memref<4x8192x1024xf32, #tpu.memory_space<hbm>> -> memref<1x8x1024xf32, #tpu.memory_space<hbm>>
    %dma_start3A_73 = tpu.memref_squeeze %dma_start3A_72 : memref<1x8x1024xf32, #tpu.memory_space<hbm>> -> memref<8x1024xf32, #tpu.memory_space<hbm>>
    %dma_start3A_74 = arith.constant 0 : i32
    %dma_start3A_75 = tpu.memref_slice %arg2[%dma_start3A_70, %add3A_69, %dma_start3A_74] : memref<4x8192x1024xf32, #tpu.memory_space<hbm>> -> memref<1x8x1024xf32, #tpu.memory_space<hbm>>
    %dma_start3A_76 = tpu.memref_squeeze %dma_start3A_75 : memref<1x8x1024xf32, #tpu.memory_space<hbm>> -> memref<8x1024xf32, #tpu.memory_space<hbm>>
    tpu.enqueue_dma source(%dma_start3A_76 : memref<8x1024xf32, #tpu.memory_space<hbm>>) target(%arg11 : memref<8x1024xf32, #tpu.memory_space<vmem>>) target_semaphore(%arg21 : memref<!tpu.dma_semaphore, #tpu.memory_space<semaphore_mem>>)
    %add3A_77 = arith.constant 8 : i32
    %add3A_78 = arith.addi %mul3A_2, %add3A_77 : i32
    %dma_start3A_79 = arith.constant 3 : i32
    %dma_start3A_80 = arith.constant 0 : i32
    %dma_start3A_81 = tpu.memref_slice %arg2[%dma_start3A_79, %add3A_78, %dma_start3A_80] : memref<4x8192x1024xf32, #tpu.memory_space<hbm>> -> memref<1x8x1024xf32, #tpu.memory_space<hbm>>
    %dma_start3A_82 = tpu.memref_squeeze %dma_start3A_81 : memref<1x8x1024xf32, #tpu.memory_space<hbm>> -> memref<8x1024xf32, #tpu.memory_space<hbm>>
    %dma_start3A_83 = arith.constant 0 : i32
    %dma_start3A_84 = tpu.memref_slice %arg2[%dma_start3A_79, %add3A_78, %dma_start3A_83] : memref<4x8192x1024xf32, #tpu.memory_space<hbm>> -> memref<1x8x1024xf32, #tpu.memory_space<hbm>>
    %dma_start3A_85 = tpu.memref_squeeze %dma_start3A_84 : memref<1x8x1024xf32, #tpu.memory_space<hbm>> -> memref<8x1024xf32, #tpu.memory_space<hbm>>
    tpu.enqueue_dma source(%dma_start3A_85 : memref<8x1024xf32, #tpu.memory_space<hbm>>) target(%arg12 : memref<8x1024xf32, #tpu.memory_space<vmem>>) target_semaphore(%arg22 : memref<!tpu.dma_semaphore, #tpu.memory_space<semaphore_mem>>)
    %scan3A = arith.constant 0 : i32
    %scan3A_86 = arith.constant 16 : i32
    %scan3A_87 = arith.addi %scan3A, %scan3A_86 : i32
    %scan3A_88 = arith.constant 1 : i32
    scf.for %scan3A_125 = %scan3A to %scan3A_87 step %scan3A_88  : i32 {
      %mul3A_126 = arith.constant 1 : i32
      %mul3A_127 = arith.muli %scan3A_125, %mul3A_126 : i32
      %add3A_128 = arith.constant 0 : i32
      %add3A_129 = arith.addi %add3A_128, %mul3A_127 : i32
      %mul3A_130 = arith.constant 2 : i32
      %mul3A_131 = arith.muli %mul3A_130, %add3A_129 : i32
      %mul3A_132 = arith.constant 2 : i32
      %mul3A_133 = arith.muli %mul3A_132, %add3A_129 : i32
      %add3A_134 = arith.constant 1 : i32
      %add3A_135 = arith.addi %mul3A_133, %add3A_134 : i32
      %eq3A = arith.constant 15 : i32
      %eq3A_136 = arith.cmpi eq, %add3A_129, %eq3A : i32
      %gt3A = arith.constant 0 : i32
      %gt3A_137 = arith.cmpi sgt, %add3A_129, %gt3A : i32
      %convert_element_type3A = arith.extui %gt3A_137 : i1 to i32
      %cond3A = arith.constant 0 : i32
      %cond3A_138 = arith.cmpi ne, %convert_element_type3A, %cond3A : i32
      scf.if %cond3A_138 {
        %sub3A = arith.constant 1 : i32
        %sub3A_405 = arith.subi %mul3A_131, %sub3A : i32
        %mul3A_406 = arith.constant 8 : i32
        %mul3A_407 = arith.muli %sub3A_405, %mul3A_406 : i32
        %add3A_408 = arith.addi %mul3A_2, %mul3A_407 : i32
        %dma_wait3A_409 = arith.constant 0 : i32
        %dma_wait3A_410 = arith.constant 0 : i32
        %dma_wait3A_411 = tpu.memref_slice %arg4[%dma_wait3A_409, %add3A_408, %dma_wait3A_410] : memref<4x8192x1024xf32, #tpu.memory_space<hbm>> -> memref<1x8x1024xf32, #tpu.memory_space<hbm>>
        %dma_wait3A_412 = tpu.memref_squeeze %dma_wait3A_411 : memref<1x8x1024xf32, #tpu.memory_space<hbm>> -> memref<8x1024xf32, #tpu.memory_space<hbm>>
        %dma_wait3A_413 = arith.constant 0 : i32
        %dma_wait3A_414 = tpu.memref_slice %arg4[%dma_wait3A_409, %add3A_408, %dma_wait3A_413] : memref<4x8192x1024xf32, #tpu.memory_space<hbm>> -> memref<1x8x1024xf32, #tpu.memory_space<hbm>>
        %dma_wait3A_415 = tpu.memref_squeeze %dma_wait3A_414 : memref<1x8x1024xf32, #tpu.memory_space<hbm>> -> memref<8x1024xf32, #tpu.memory_space<hbm>>
        tpu.wait_dma2 semaphore(%arg27 : memref<!tpu.dma_semaphore, #tpu.memory_space<semaphore_mem>>) src(%arg9 : memref<8x1024xf32, #tpu.memory_space<vmem>>) dst(%dma_wait3A_415 : memref<8x1024xf32, #tpu.memory_space<hbm>>)
        %mul3A_416 = arith.constant 8 : i32
        %mul3A_417 = arith.muli %add3A_135, %mul3A_416 : i32
        %add3A_418 = arith.addi %mul3A_2, %mul3A_417 : i32
        %dma_start3A_419 = arith.constant 0 : i32
        %dma_start3A_420 = arith.constant 0 : i32
        %dma_start3A_421 = tpu.memref_slice %arg2[%dma_start3A_419, %add3A_418, %dma_start3A_420] : memref<4x8192x1024xf32, #tpu.memory_space<hbm>> -> memref<1x8x1024xf32, #tpu.memory_space<hbm>>
        %dma_start3A_422 = tpu.memref_squeeze %dma_start3A_421 : memref<1x8x1024xf32, #tpu.memory_space<hbm>> -> memref<8x1024xf32, #tpu.memory_space<hbm>>
        %dma_start3A_423 = arith.constant 0 : i32
        %dma_start3A_424 = tpu.memref_slice %arg2[%dma_start3A_419, %add3A_418, %dma_start3A_423] : memref<4x8192x1024xf32, #tpu.memory_space<hbm>> -> memref<1x8x1024xf32, #tpu.memory_space<hbm>>
        %dma_start3A_425 = tpu.memref_squeeze %dma_start3A_424 : memref<1x8x1024xf32, #tpu.memory_space<hbm>> -> memref<8x1024xf32, #tpu.memory_space<hbm>>
        tpu.enqueue_dma source(%dma_start3A_425 : memref<8x1024xf32, #tpu.memory_space<hbm>>) target(%arg9 : memref<8x1024xf32, #tpu.memory_space<vmem>>) target_semaphore(%arg19 : memref<!tpu.dma_semaphore, #tpu.memory_space<semaphore_mem>>)
        %sub3A_426 = arith.constant 1 : i32
        %sub3A_427 = arith.subi %mul3A_131, %sub3A_426 : i32
        %mul3A_428 = arith.constant 8 : i32
        %mul3A_429 = arith.muli %sub3A_427, %mul3A_428 : i32
        %add3A_430 = arith.addi %mul3A_2, %mul3A_429 : i32
        %dma_wait3A_431 = arith.constant 1 : i32
        %dma_wait3A_432 = arith.constant 0 : i32
        %dma_wait3A_433 = tpu.memref_slice %arg4[%dma_wait3A_431, %add3A_430, %dma_wait3A_432] : memref<4x8192x1024xf32, #tpu.memory_space<hbm>> -> memref<1x8x1024xf32, #tpu.memory_space<hbm>>
        %dma_wait3A_434 = tpu.memref_squeeze %dma_wait3A_433 : memref<1x8x1024xf32, #tpu.memory_space<hbm>> -> memref<8x1024xf32, #tpu.memory_space<hbm>>
        %dma_wait3A_435 = arith.constant 0 : i32
        %dma_wait3A_436 = tpu.memref_slice %arg4[%dma_wait3A_431, %add3A_430, %dma_wait3A_435] : memref<4x8192x1024xf32, #tpu.memory_space<hbm>> -> memref<1x8x1024xf32, #tpu.memory_space<hbm>>
        %dma_wait3A_437 = tpu.memref_squeeze %dma_wait3A_436 : memref<1x8x1024xf32, #tpu.memory_space<hbm>> -> memref<8x1024xf32, #tpu.memory_space<hbm>>
        tpu.wait_dma2 semaphore(%arg28 : memref<!tpu.dma_semaphore, #tpu.memory_space<semaphore_mem>>) src(%arg10 : memref<8x1024xf32, #tpu.memory_space<vmem>>) dst(%dma_wait3A_437 : memref<8x1024xf32, #tpu.memory_space<hbm>>)
        %mul3A_438 = arith.constant 8 : i32
        %mul3A_439 = arith.muli %add3A_135, %mul3A_438 : i32
        %add3A_440 = arith.addi %mul3A_2, %mul3A_439 : i32
        %dma_start3A_441 = arith.constant 1 : i32
        %dma_start3A_442 = arith.constant 0 : i32
        %dma_start3A_443 = tpu.memref_slice %arg2[%dma_start3A_441, %add3A_440, %dma_start3A_442] : memref<4x8192x1024xf32, #tpu.memory_space<hbm>> -> memref<1x8x1024xf32, #tpu.memory_space<hbm>>
        %dma_start3A_444 = tpu.memref_squeeze %dma_start3A_443 : memref<1x8x1024xf32, #tpu.memory_space<hbm>> -> memref<8x1024xf32, #tpu.memory_space<hbm>>
        %dma_start3A_445 = arith.constant 0 : i32
        %dma_start3A_446 = tpu.memref_slice %arg2[%dma_start3A_441, %add3A_440, %dma_start3A_445] : memref<4x8192x1024xf32, #tpu.memory_space<hbm>> -> memref<1x8x1024xf32, #tpu.memory_space<hbm>>
        %dma_start3A_447 = tpu.memref_squeeze %dma_start3A_446 : memref<1x8x1024xf32, #tpu.memory_space<hbm>> -> memref<8x1024xf32, #tpu.memory_space<hbm>>
        tpu.enqueue_dma source(%dma_start3A_447 : memref<8x1024xf32, #tpu.memory_space<hbm>>) target(%arg10 : memref<8x1024xf32, #tpu.memory_space<vmem>>) target_semaphore(%arg20 : memref<!tpu.dma_semaphore, #tpu.memory_space<semaphore_mem>>)
        %sub3A_448 = arith.constant 1 : i32
        %sub3A_449 = arith.subi %mul3A_131, %sub3A_448 : i32
        %mul3A_450 = arith.constant 8 : i32
        %mul3A_451 = arith.muli %sub3A_449, %mul3A_450 : i32
        %add3A_452 = arith.addi %mul3A_2, %mul3A_451 : i32
        %dma_wait3A_453 = arith.constant 2 : i32
        %dma_wait3A_454 = arith.constant 0 : i32
        %dma_wait3A_455 = tpu.memref_slice %arg4[%dma_wait3A_453, %add3A_452, %dma_wait3A_454] : memref<4x8192x1024xf32, #tpu.memory_space<hbm>> -> memref<1x8x1024xf32, #tpu.memory_space<hbm>>
        %dma_wait3A_456 = tpu.memref_squeeze %dma_wait3A_455 : memref<1x8x1024xf32, #tpu.memory_space<hbm>> -> memref<8x1024xf32, #tpu.memory_space<hbm>>
        %dma_wait3A_457 = arith.constant 0 : i32
        %dma_wait3A_458 = tpu.memref_slice %arg4[%dma_wait3A_453, %add3A_452, %dma_wait3A_457] : memref<4x8192x1024xf32, #tpu.memory_space<hbm>> -> memref<1x8x1024xf32, #tpu.memory_space<hbm>>
        %dma_wait3A_459 = tpu.memref_squeeze %dma_wait3A_458 : memref<1x8x1024xf32, #tpu.memory_space<hbm>> -> memref<8x1024xf32, #tpu.memory_space<hbm>>
        tpu.wait_dma2 semaphore(%arg29 : memref<!tpu.dma_semaphore, #tpu.memory_space<semaphore_mem>>) src(%arg11 : memref<8x1024xf32, #tpu.memory_space<vmem>>) dst(%dma_wait3A_459 : memref<8x1024xf32, #tpu.memory_space<hbm>>)
        %mul3A_460 = arith.constant 8 : i32
        %mul3A_461 = arith.muli %add3A_135, %mul3A_460 : i32
        %add3A_462 = arith.addi %mul3A_2, %mul3A_461 : i32
        %dma_start3A_463 = arith.constant 2 : i32
        %dma_start3A_464 = arith.constant 0 : i32
        %dma_start3A_465 = tpu.memref_slice %arg2[%dma_start3A_463, %add3A_462, %dma_start3A_464] : memref<4x8192x1024xf32, #tpu.memory_space<hbm>> -> memref<1x8x1024xf32, #tpu.memory_space<hbm>>
        %dma_start3A_466 = tpu.memref_squeeze %dma_start3A_465 : memref<1x8x1024xf32, #tpu.memory_space<hbm>> -> memref<8x1024xf32, #tpu.memory_space<hbm>>
        %dma_start3A_467 = arith.constant 0 : i32
        %dma_start3A_468 = tpu.memref_slice %arg2[%dma_start3A_463, %add3A_462, %dma_start3A_467] : memref<4x8192x1024xf32, #tpu.memory_space<hbm>> -> memref<1x8x1024xf32, #tpu.memory_space<hbm>>
        %dma_start3A_469 = tpu.memref_squeeze %dma_start3A_468 : memref<1x8x1024xf32, #tpu.memory_space<hbm>> -> memref<8x1024xf32, #tpu.memory_space<hbm>>
        tpu.enqueue_dma source(%dma_start3A_469 : memref<8x1024xf32, #tpu.memory_space<hbm>>) target(%arg11 : memref<8x1024xf32, #tpu.memory_space<vmem>>) target_semaphore(%arg21 : memref<!tpu.dma_semaphore, #tpu.memory_space<semaphore_mem>>)
        %sub3A_470 = arith.constant 1 : i32
        %sub3A_471 = arith.subi %mul3A_131, %sub3A_470 : i32
        %mul3A_472 = arith.constant 8 : i32
        %mul3A_473 = arith.muli %sub3A_471, %mul3A_472 : i32
        %add3A_474 = arith.addi %mul3A_2, %mul3A_473 : i32
        %dma_wait3A_475 = arith.constant 3 : i32
        %dma_wait3A_476 = arith.constant 0 : i32
        %dma_wait3A_477 = tpu.memref_slice %arg4[%dma_wait3A_475, %add3A_474, %dma_wait3A_476] : memref<4x8192x1024xf32, #tpu.memory_space<hbm>> -> memref<1x8x1024xf32, #tpu.memory_space<hbm>>
        %dma_wait3A_478 = tpu.memref_squeeze %dma_wait3A_477 : memref<1x8x1024xf32, #tpu.memory_space<hbm>> -> memref<8x1024xf32, #tpu.memory_space<hbm>>
        %dma_wait3A_479 = arith.constant 0 : i32
        %dma_wait3A_480 = tpu.memref_slice %arg4[%dma_wait3A_475, %add3A_474, %dma_wait3A_479] : memref<4x8192x1024xf32, #tpu.memory_space<hbm>> -> memref<1x8x1024xf32, #tpu.memory_space<hbm>>
        %dma_wait3A_481 = tpu.memref_squeeze %dma_wait3A_480 : memref<1x8x1024xf32, #tpu.memory_space<hbm>> -> memref<8x1024xf32, #tpu.memory_space<hbm>>
        tpu.wait_dma2 semaphore(%arg30 : memref<!tpu.dma_semaphore, #tpu.memory_space<semaphore_mem>>) src(%arg12 : memref<8x1024xf32, #tpu.memory_space<vmem>>) dst(%dma_wait3A_481 : memref<8x1024xf32, #tpu.memory_space<hbm>>)
        %mul3A_482 = arith.constant 8 : i32
        %mul3A_483 = arith.muli %add3A_135, %mul3A_482 : i32
        %add3A_484 = arith.addi %mul3A_2, %mul3A_483 : i32
        %dma_start3A_485 = arith.constant 3 : i32
        %dma_start3A_486 = arith.constant 0 : i32
        %dma_start3A_487 = tpu.memref_slice %arg2[%dma_start3A_485, %add3A_484, %dma_start3A_486] : memref<4x8192x1024xf32, #tpu.memory_space<hbm>> -> memref<1x8x1024xf32, #tpu.memory_space<hbm>>
        %dma_start3A_488 = tpu.memref_squeeze %dma_start3A_487 : memref<1x8x1024xf32, #tpu.memory_space<hbm>> -> memref<8x1024xf32, #tpu.memory_space<hbm>>
        %dma_start3A_489 = arith.constant 0 : i32
        %dma_start3A_490 = tpu.memref_slice %arg2[%dma_start3A_485, %add3A_484, %dma_start3A_489] : memref<4x8192x1024xf32, #tpu.memory_space<hbm>> -> memref<1x8x1024xf32, #tpu.memory_space<hbm>>
        %dma_start3A_491 = tpu.memref_squeeze %dma_start3A_490 : memref<1x8x1024xf32, #tpu.memory_space<hbm>> -> memref<8x1024xf32, #tpu.memory_space<hbm>>
        tpu.enqueue_dma source(%dma_start3A_491 : memref<8x1024xf32, #tpu.memory_space<hbm>>) target(%arg12 : memref<8x1024xf32, #tpu.memory_space<vmem>>) target_semaphore(%arg22 : memref<!tpu.dma_semaphore, #tpu.memory_space<semaphore_mem>>)
      } else {
      }
      %mul3A_139 = arith.constant 8 : i32
      %mul3A_140 = arith.muli %mul3A_131, %mul3A_139 : i32
      %add3A_141 = arith.addi %mul3A_2, %mul3A_140 : i32
      %dma_wait3A_142 = arith.constant 0 : i32
      %dma_wait3A_143 = tpu.memref_slice %arg3[%add3A_141, %dma_wait3A_142] : memref<8192x1024xf32, #tpu.memory_space<hbm>> -> memref<8x1024xf32, #tpu.memory_space<hbm>>
      %dma_wait3A_144 = arith.constant 0 : i32
      %dma_wait3A_145 = tpu.memref_slice %arg3[%add3A_141, %dma_wait3A_144] : memref<8192x1024xf32, #tpu.memory_space<hbm>> -> memref<8x1024xf32, #tpu.memory_space<hbm>>
      tpu.wait_dma2 semaphore(%arg31 : memref<!tpu.dma_semaphore, #tpu.memory_space<semaphore_mem>>) src(%dma_wait3A_145 : memref<8x1024xf32, #tpu.memory_space<hbm>>) dst(%arg13 : memref<8x1024xf32, #tpu.memory_space<vmem>>)
      %mul3A_146 = arith.constant 8 : i32
      %mul3A_147 = arith.muli %mul3A_131, %mul3A_146 : i32
      %add3A_148 = arith.addi %mul3A_2, %mul3A_147 : i32
      %dma_wait3A_149 = arith.constant 0 : i32
      %dma_wait3A_150 = arith.constant 0 : i32
      %dma_wait3A_151 = tpu.memref_slice %arg2[%dma_wait3A_149, %add3A_148, %dma_wait3A_150] : memref<4x8192x1024xf32, #tpu.memory_space<hbm>> -> memref<1x8x1024xf32, #tpu.memory_space<hbm>>
      %dma_wait3A_152 = tpu.memref_squeeze %dma_wait3A_151 : memref<1x8x1024xf32, #tpu.memory_space<hbm>> -> memref<8x1024xf32, #tpu.memory_space<hbm>>
      %dma_wait3A_153 = arith.constant 0 : i32
      %dma_wait3A_154 = tpu.memref_slice %arg2[%dma_wait3A_149, %add3A_148, %dma_wait3A_153] : memref<4x8192x1024xf32, #tpu.memory_space<hbm>> -> memref<1x8x1024xf32, #tpu.memory_space<hbm>>
      %dma_wait3A_155 = tpu.memref_squeeze %dma_wait3A_154 : memref<1x8x1024xf32, #tpu.memory_space<hbm>> -> memref<8x1024xf32, #tpu.memory_space<hbm>>
      tpu.wait_dma2 semaphore(%arg15 : memref<!tpu.dma_semaphore, #tpu.memory_space<semaphore_mem>>) src(%dma_wait3A_155 : memref<8x1024xf32, #tpu.memory_space<hbm>>) dst(%arg5 : memref<8x1024xf32, #tpu.memory_space<vmem>>)
      %parallel_loop3A = arith.constant 0 : i32
      %parallel_loop3A_156 = arith.constant 512 : i32
      %parallel_loop3A_157 = arith.constant 1 : i32
      scf.for %parallel_loop3A_405 = %parallel_loop3A to %parallel_loop3A_156 step %parallel_loop3A_157  : i32 {
        %parallel_loop3A_406 = arith.constant 64 : i32
        %parallel_loop3A_407 = arith.divsi %parallel_loop3A_405, %parallel_loop3A_406 : i32
        %parallel_loop3A_408 = arith.constant 0 : i32
        %parallel_loop3A_409 = arith.cmpi sgt, %parallel_loop3A_405, %parallel_loop3A_408 : i32
        %parallel_loop3A_410 = arith.extui %parallel_loop3A_409 : i1 to i32
        %parallel_loop3A_411 = arith.constant 0 : i32
        %parallel_loop3A_412 = arith.cmpi slt, %parallel_loop3A_405, %parallel_loop3A_411 : i32
        %parallel_loop3A_413 = arith.extui %parallel_loop3A_412 : i1 to i32
        %parallel_loop3A_414 = arith.subi %parallel_loop3A_410, %parallel_loop3A_413 : i32
        %parallel_loop3A_415 = arith.constant 0 : i32
        %parallel_loop3A_416 = arith.cmpi sgt, %parallel_loop3A_406, %parallel_loop3A_415 : i32
        %parallel_loop3A_417 = arith.extui %parallel_loop3A_416 : i1 to i32
        %parallel_loop3A_418 = arith.constant 0 : i32
        %parallel_loop3A_419 = arith.cmpi slt, %parallel_loop3A_406, %parallel_loop3A_418 : i32
        %parallel_loop3A_420 = arith.extui %parallel_loop3A_419 : i1 to i32
        %parallel_loop3A_421 = arith.subi %parallel_loop3A_417, %parallel_loop3A_420 : i32
        %parallel_loop3A_422 = arith.cmpi ne, %parallel_loop3A_414, %parallel_loop3A_421 : i32
        %parallel_loop3A_423 = arith.remsi %parallel_loop3A_405, %parallel_loop3A_406 : i32
        %parallel_loop3A_424 = arith.constant 0 : i32
        %parallel_loop3A_425 = arith.cmpi ne, %parallel_loop3A_423, %parallel_loop3A_424 : i32
        %parallel_loop3A_426 = arith.andi %parallel_loop3A_422, %parallel_loop3A_425 : i1
        %parallel_loop3A_427 = arith.constant 1 : i32
        %parallel_loop3A_428 = arith.subi %parallel_loop3A_407, %parallel_loop3A_427 : i32
        %parallel_loop3A_429 = arith.select %parallel_loop3A_426, %parallel_loop3A_428, %parallel_loop3A_407 : i32
        %parallel_loop3A_430 = arith.constant 64 : i32
        %parallel_loop3A_431 = arith.constant 0 : i32
        %parallel_loop3A_432 = arith.cmpi eq, %parallel_loop3A_430, %parallel_loop3A_431 : i32
        %parallel_loop3A_433 = arith.constant 1 : i32
        %parallel_loop3A_434 = arith.select %parallel_loop3A_432, %parallel_loop3A_433, %parallel_loop3A_430 : i32
        %parallel_loop3A_435 = arith.remsi %parallel_loop3A_405, %parallel_loop3A_434 : i32
        %parallel_loop3A_436 = arith.constant 0 : i32
        %parallel_loop3A_437 = arith.cmpi ne, %parallel_loop3A_435, %parallel_loop3A_436 : i32
        %parallel_loop3A_438 = arith.constant 0 : i32
        %parallel_loop3A_439 = arith.cmpi slt, %parallel_loop3A_435, %parallel_loop3A_438 : i32
        %parallel_loop3A_440 = arith.constant 0 : i32
        %parallel_loop3A_441 = arith.cmpi slt, %parallel_loop3A_434, %parallel_loop3A_440 : i32
        %parallel_loop3A_442 = arith.xori %parallel_loop3A_439, %parallel_loop3A_441 : i1
        %parallel_loop3A_443 = arith.andi %parallel_loop3A_442, %parallel_loop3A_437 : i1
        %parallel_loop3A_444 = arith.addi %parallel_loop3A_435, %parallel_loop3A_434 : i32
        %parallel_loop3A_445 = arith.select %parallel_loop3A_443, %parallel_loop3A_444, %parallel_loop3A_435 : i32
        %parallel_loop3A_446 = arith.constant 16 : i32
        %parallel_loop3A_447 = arith.muli %parallel_loop3A_445, %parallel_loop3A_446 : i32
        %parallel_loop3A_448 = arith.index_cast %parallel_loop3A_429 : i32 to index
        %parallel_loop3A_449 = arith.index_cast %parallel_loop3A_447 : i32 to index
        %parallel_loop3A_450 = tpu.vector_load %arg13[%parallel_loop3A_448, %parallel_loop3A_449] {strides = array<i32>} : memref<8x1024xf32, #tpu.memory_space<vmem>>, vector<1x16xf32>,
        %parallel_loop3A_451 = vector.shape_cast %parallel_loop3A_450 : vector<1x16xf32> to vector<16xf32>
        %parallel_loop3A_452 = arith.index_cast %parallel_loop3A_429 : i32 to index
        %parallel_loop3A_453 = arith.index_cast %parallel_loop3A_447 : i32 to index
        %parallel_loop3A_454 = tpu.vector_load %arg5[%parallel_loop3A_452, %parallel_loop3A_453] {strides = array<i32>} : memref<8x1024xf32, #tpu.memory_space<vmem>>, vector<1x16xf32>,
        %parallel_loop3A_455 = vector.shape_cast %parallel_loop3A_454 : vector<1x16xf32> to vector<16xf32>
        %parallel_loop3A_456 = vector.shape_cast %parallel_loop3A_451 : vector<16xf32> to vector<1x16xf32>
        tpu.vector_store %arg5[%parallel_loop3A_452, %parallel_loop3A_453], %parallel_loop3A_456 {add = true, strides = array<i32>} : memref<8x1024xf32, #tpu.memory_space<vmem>>, vector<1x16xf32>,
      } {sc.loop_unroll_factor = 8 : i64, sc.parallel_access}
      %mul3A_158 = arith.constant 8 : i32
      %mul3A_159 = arith.muli %mul3A_131, %mul3A_158 : i32
      %add3A_160 = arith.addi %mul3A_2, %mul3A_159 : i32
      %dma_wait3A_161 = arith.constant 1 : i32
      %dma_wait3A_162 = arith.constant 0 : i32
      %dma_wait3A_163 = tpu.memref_slice %arg2[%dma_wait3A_161, %add3A_160, %dma_wait3A_162] : memref<4x8192x1024xf32, #tpu.memory_space<hbm>> -> memref<1x8x1024xf32, #tpu.memory_space<hbm>>
      %dma_wait3A_164 = tpu.memref_squeeze %dma_wait3A_163 : memref<1x8x1024xf32, #tpu.memory_space<hbm>> -> memref<8x1024xf32, #tpu.memory_space<hbm>>
      %dma_wait3A_165 = arith.constant 0 : i32
      %dma_wait3A_166 = tpu.memref_slice %arg2[%dma_wait3A_161, %add3A_160, %dma_wait3A_165] : memref<4x8192x1024xf32, #tpu.memory_space<hbm>> -> memref<1x8x1024xf32, #tpu.memory_space<hbm>>
      %dma_wait3A_167 = tpu.memref_squeeze %dma_wait3A_166 : memref<1x8x1024xf32, #tpu.memory_space<hbm>> -> memref<8x1024xf32, #tpu.memory_space<hbm>>
      tpu.wait_dma2 semaphore(%arg16 : memref<!tpu.dma_semaphore, #tpu.memory_space<semaphore_mem>>) src(%dma_wait3A_167 : memref<8x1024xf32, #tpu.memory_space<hbm>>) dst(%arg6 : memref<8x1024xf32, #tpu.memory_space<vmem>>)
      %parallel_loop3A_168 = arith.constant 0 : i32
      %parallel_loop3A_169 = arith.constant 512 : i32
      %parallel_loop3A_170 = arith.constant 1 : i32
      scf.for %parallel_loop3A_405 = %parallel_loop3A_168 to %parallel_loop3A_169 step %parallel_loop3A_170  : i32 {
        %parallel_loop3A_406 = arith.constant 64 : i32
        %parallel_loop3A_407 = arith.divsi %parallel_loop3A_405, %parallel_loop3A_406 : i32
        %parallel_loop3A_408 = arith.constant 0 : i32
        %parallel_loop3A_409 = arith.cmpi sgt, %parallel_loop3A_405, %parallel_loop3A_408 : i32
        %parallel_loop3A_410 = arith.extui %parallel_loop3A_409 : i1 to i32
        %parallel_loop3A_411 = arith.constant 0 : i32
        %parallel_loop3A_412 = arith.cmpi slt, %parallel_loop3A_405, %parallel_loop3A_411 : i32
        %parallel_loop3A_413 = arith.extui %parallel_loop3A_412 : i1 to i32
        %parallel_loop3A_414 = arith.subi %parallel_loop3A_410, %parallel_loop3A_413 : i32
        %parallel_loop3A_415 = arith.constant 0 : i32
        %parallel_loop3A_416 = arith.cmpi sgt, %parallel_loop3A_406, %parallel_loop3A_415 : i32
        %parallel_loop3A_417 = arith.extui %parallel_loop3A_416 : i1 to i32
        %parallel_loop3A_418 = arith.constant 0 : i32
        %parallel_loop3A_419 = arith.cmpi slt, %parallel_loop3A_406, %parallel_loop3A_418 : i32
        %parallel_loop3A_420 = arith.extui %parallel_loop3A_419 : i1 to i32
        %parallel_loop3A_421 = arith.subi %parallel_loop3A_417, %parallel_loop3A_420 : i32
        %parallel_loop3A_422 = arith.cmpi ne, %parallel_loop3A_414, %parallel_loop3A_421 : i32
        %parallel_loop3A_423 = arith.remsi %parallel_loop3A_405, %parallel_loop3A_406 : i32
        %parallel_loop3A_424 = arith.constant 0 : i32
        %parallel_loop3A_425 = arith.cmpi ne, %parallel_loop3A_423, %parallel_loop3A_424 : i32
        %parallel_loop3A_426 = arith.andi %parallel_loop3A_422, %parallel_loop3A_425 : i1
        %parallel_loop3A_427 = arith.constant 1 : i32
        %parallel_loop3A_428 = arith.subi %parallel_loop3A_407, %parallel_loop3A_427 : i32
        %parallel_loop3A_429 = arith.select %parallel_loop3A_426, %parallel_loop3A_428, %parallel_loop3A_407 : i32
        %parallel_loop3A_430 = arith.constant 64 : i32
        %parallel_loop3A_431 = arith.constant 0 : i32
        %parallel_loop3A_432 = arith.cmpi eq, %parallel_loop3A_430, %parallel_loop3A_431 : i32
        %parallel_loop3A_433 = arith.constant 1 : i32
        %parallel_loop3A_434 = arith.select %parallel_loop3A_432, %parallel_loop3A_433, %parallel_loop3A_430 : i32
        %parallel_loop3A_435 = arith.remsi %parallel_loop3A_405, %parallel_loop3A_434 : i32
        %parallel_loop3A_436 = arith.constant 0 : i32
        %parallel_loop3A_437 = arith.cmpi ne, %parallel_loop3A_435, %parallel_loop3A_436 : i32
        %parallel_loop3A_438 = arith.constant 0 : i32
        %parallel_loop3A_439 = arith.cmpi slt, %parallel_loop3A_435, %parallel_loop3A_438 : i32
        %parallel_loop3A_440 = arith.constant 0 : i32
        %parallel_loop3A_441 = arith.cmpi slt, %parallel_loop3A_434, %parallel_loop3A_440 : i32
        %parallel_loop3A_442 = arith.xori %parallel_loop3A_439, %parallel_loop3A_441 : i1
        %parallel_loop3A_443 = arith.andi %parallel_loop3A_442, %parallel_loop3A_437 : i1
        %parallel_loop3A_444 = arith.addi %parallel_loop3A_435, %parallel_loop3A_434 : i32
        %parallel_loop3A_445 = arith.select %parallel_loop3A_443, %parallel_loop3A_444, %parallel_loop3A_435 : i32
        %parallel_loop3A_446 = arith.constant 16 : i32
        %parallel_loop3A_447 = arith.muli %parallel_loop3A_445, %parallel_loop3A_446 : i32
        %parallel_loop3A_448 = arith.index_cast %parallel_loop3A_429 : i32 to index
        %parallel_loop3A_449 = arith.index_cast %parallel_loop3A_447 : i32 to index
        %parallel_loop3A_450 = tpu.vector_load %arg13[%parallel_loop3A_448, %parallel_loop3A_449] {strides = array<i32>} : memref<8x1024xf32, #tpu.memory_space<vmem>>, vector<1x16xf32>,
        %parallel_loop3A_451 = vector.shape_cast %parallel_loop3A_450 : vector<1x16xf32> to vector<16xf32>
        %parallel_loop3A_452 = arith.index_cast %parallel_loop3A_429 : i32 to index
        %parallel_loop3A_453 = arith.index_cast %parallel_loop3A_447 : i32 to index
        %parallel_loop3A_454 = tpu.vector_load %arg6[%parallel_loop3A_452, %parallel_loop3A_453] {strides = array<i32>} : memref<8x1024xf32, #tpu.memory_space<vmem>>, vector<1x16xf32>,
        %parallel_loop3A_455 = vector.shape_cast %parallel_loop3A_454 : vector<1x16xf32> to vector<16xf32>
        %parallel_loop3A_456 = vector.shape_cast %parallel_loop3A_451 : vector<16xf32> to vector<1x16xf32>
        tpu.vector_store %arg6[%parallel_loop3A_452, %parallel_loop3A_453], %parallel_loop3A_456 {add = true, strides = array<i32>} : memref<8x1024xf32, #tpu.memory_space<vmem>>, vector<1x16xf32>,
      } {sc.loop_unroll_factor = 8 : i64, sc.parallel_access}
      %mul3A_171 = arith.constant 8 : i32
      %mul3A_172 = arith.muli %mul3A_131, %mul3A_171 : i32
      %add3A_173 = arith.addi %mul3A_2, %mul3A_172 : i32
      %dma_wait3A_174 = arith.constant 2 : i32
      %dma_wait3A_175 = arith.constant 0 : i32
      %dma_wait3A_176 = tpu.memref_slice %arg2[%dma_wait3A_174, %add3A_173, %dma_wait3A_175] : memref<4x8192x1024xf32, #tpu.memory_space<hbm>> -> memref<1x8x1024xf32, #tpu.memory_space<hbm>>
      %dma_wait3A_177 = tpu.memref_squeeze %dma_wait3A_176 : memref<1x8x1024xf32, #tpu.memory_space<hbm>> -> memref<8x1024xf32, #tpu.memory_space<hbm>>
      %dma_wait3A_178 = arith.constant 0 : i32
      %dma_wait3A_179 = tpu.memref_slice %arg2[%dma_wait3A_174, %add3A_173, %dma_wait3A_178] : memref<4x8192x1024xf32, #tpu.memory_space<hbm>> -> memref<1x8x1024xf32, #tpu.memory_space<hbm>>
      %dma_wait3A_180 = tpu.memref_squeeze %dma_wait3A_179 : memref<1x8x1024xf32, #tpu.memory_space<hbm>> -> memref<8x1024xf32, #tpu.memory_space<hbm>>
      tpu.wait_dma2 semaphore(%arg17 : memref<!tpu.dma_semaphore, #tpu.memory_space<semaphore_mem>>) src(%dma_wait3A_180 : memref<8x1024xf32, #tpu.memory_space<hbm>>) dst(%arg7 : memref<8x1024xf32, #tpu.memory_space<vmem>>)
      %parallel_loop3A_181 = arith.constant 0 : i32
      %parallel_loop3A_182 = arith.constant 512 : i32
      %parallel_loop3A_183 = arith.constant 1 : i32
      scf.for %parallel_loop3A_405 = %parallel_loop3A_181 to %parallel_loop3A_182 step %parallel_loop3A_183  : i32 {
        %parallel_loop3A_406 = arith.constant 64 : i32
        %parallel_loop3A_407 = arith.divsi %parallel_loop3A_405, %parallel_loop3A_406 : i32
        %parallel_loop3A_408 = arith.constant 0 : i32
        %parallel_loop3A_409 = arith.cmpi sgt, %parallel_loop3A_405, %parallel_loop3A_408 : i32
        %parallel_loop3A_410 = arith.extui %parallel_loop3A_409 : i1 to i32
        %parallel_loop3A_411 = arith.constant 0 : i32
        %parallel_loop3A_412 = arith.cmpi slt, %parallel_loop3A_405, %parallel_loop3A_411 : i32
        %parallel_loop3A_413 = arith.extui %parallel_loop3A_412 : i1 to i32
        %parallel_loop3A_414 = arith.subi %parallel_loop3A_410, %parallel_loop3A_413 : i32
        %parallel_loop3A_415 = arith.constant 0 : i32
        %parallel_loop3A_416 = arith.cmpi sgt, %parallel_loop3A_406, %parallel_loop3A_415 : i32
        %parallel_loop3A_417 = arith.extui %parallel_loop3A_416 : i1 to i32
        %parallel_loop3A_418 = arith.constant 0 : i32
        %parallel_loop3A_419 = arith.cmpi slt, %parallel_loop3A_406, %parallel_loop3A_418 : i32
        %parallel_loop3A_420 = arith.extui %parallel_loop3A_419 : i1 to i32
        %parallel_loop3A_421 = arith.subi %parallel_loop3A_417, %parallel_loop3A_420 : i32
        %parallel_loop3A_422 = arith.cmpi ne, %parallel_loop3A_414, %parallel_loop3A_421 : i32
        %parallel_loop3A_423 = arith.remsi %parallel_loop3A_405, %parallel_loop3A_406 : i32
        %parallel_loop3A_424 = arith.constant 0 : i32
        %parallel_loop3A_425 = arith.cmpi ne, %parallel_loop3A_423, %parallel_loop3A_424 : i32
        %parallel_loop3A_426 = arith.andi %parallel_loop3A_422, %parallel_loop3A_425 : i1
        %parallel_loop3A_427 = arith.constant 1 : i32
        %parallel_loop3A_428 = arith.subi %parallel_loop3A_407, %parallel_loop3A_427 : i32
        %parallel_loop3A_429 = arith.select %parallel_loop3A_426, %parallel_loop3A_428, %parallel_loop3A_407 : i32
        %parallel_loop3A_430 = arith.constant 64 : i32
        %parallel_loop3A_431 = arith.constant 0 : i32
        %parallel_loop3A_432 = arith.cmpi eq, %parallel_loop3A_430, %parallel_loop3A_431 : i32
        %parallel_loop3A_433 = arith.constant 1 : i32
        %parallel_loop3A_434 = arith.select %parallel_loop3A_432, %parallel_loop3A_433, %parallel_loop3A_430 : i32
        %parallel_loop3A_435 = arith.remsi %parallel_loop3A_405, %parallel_loop3A_434 : i32
        %parallel_loop3A_436 = arith.constant 0 : i32
        %parallel_loop3A_437 = arith.cmpi ne, %parallel_loop3A_435, %parallel_loop3A_436 : i32
        %parallel_loop3A_438 = arith.constant 0 : i32
        %parallel_loop3A_439 = arith.cmpi slt, %parallel_loop3A_435, %parallel_loop3A_438 : i32
        %parallel_loop3A_440 = arith.constant 0 : i32
        %parallel_loop3A_441 = arith.cmpi slt, %parallel_loop3A_434, %parallel_loop3A_440 : i32
        %parallel_loop3A_442 = arith.xori %parallel_loop3A_439, %parallel_loop3A_441 : i1
        %parallel_loop3A_443 = arith.andi %parallel_loop3A_442, %parallel_loop3A_437 : i1
        %parallel_loop3A_444 = arith.addi %parallel_loop3A_435, %parallel_loop3A_434 : i32
        %parallel_loop3A_445 = arith.select %parallel_loop3A_443, %parallel_loop3A_444, %parallel_loop3A_435 : i32
        %parallel_loop3A_446 = arith.constant 16 : i32
        %parallel_loop3A_447 = arith.muli %parallel_loop3A_445, %parallel_loop3A_446 : i32
        %parallel_loop3A_448 = arith.index_cast %parallel_loop3A_429 : i32 to index
        %parallel_loop3A_449 = arith.index_cast %parallel_loop3A_447 : i32 to index
        %parallel_loop3A_450 = tpu.vector_load %arg13[%parallel_loop3A_448, %parallel_loop3A_449] {strides = array<i32>} : memref<8x1024xf32, #tpu.memory_space<vmem>>, vector<1x16xf32>,
        %parallel_loop3A_451 = vector.shape_cast %parallel_loop3A_450 : vector<1x16xf32> to vector<16xf32>
        %parallel_loop3A_452 = arith.index_cast %parallel_loop3A_429 : i32 to index
        %parallel_loop3A_453 = arith.index_cast %parallel_loop3A_447 : i32 to index
        %parallel_loop3A_454 = tpu.vector_load %arg7[%parallel_loop3A_452, %parallel_loop3A_453] {strides = array<i32>} : memref<8x1024xf32, #tpu.memory_space<vmem>>, vector<1x16xf32>,
        %parallel_loop3A_455 = vector.shape_cast %parallel_loop3A_454 : vector<1x16xf32> to vector<16xf32>
        %parallel_loop3A_456 = vector.shape_cast %parallel_loop3A_451 : vector<16xf32> to vector<1x16xf32>
        tpu.vector_store %arg7[%parallel_loop3A_452, %parallel_loop3A_453], %parallel_loop3A_456 {add = true, strides = array<i32>} : memref<8x1024xf32, #tpu.memory_space<vmem>>, vector<1x16xf32>,
      } {sc.loop_unroll_factor = 8 : i64, sc.parallel_access}
      %mul3A_184 = arith.constant 8 : i32
      %mul3A_185 = arith.muli %mul3A_131, %mul3A_184 : i32
      %add3A_186 = arith.addi %mul3A_2, %mul3A_185 : i32
      %dma_wait3A_187 = arith.constant 3 : i32
      %dma_wait3A_188 = arith.constant 0 : i32
      %dma_wait3A_189 = tpu.memref_slice %arg2[%dma_wait3A_187, %add3A_186, %dma_wait3A_188] : memref<4x8192x1024xf32, #tpu.memory_space<hbm>> -> memref<1x8x1024xf32, #tpu.memory_space<hbm>>
      %dma_wait3A_190 = tpu.memref_squeeze %dma_wait3A_189 : memref<1x8x1024xf32, #tpu.memory_space<hbm>> -> memref<8x1024xf32, #tpu.memory_space<hbm>>
      %dma_wait3A_191 = arith.constant 0 : i32
      %dma_wait3A_192 = tpu.memref_slice %arg2[%dma_wait3A_187, %add3A_186, %dma_wait3A_191] : memref<4x8192x1024xf32, #tpu.memory_space<hbm>> -> memref<1x8x1024xf32, #tpu.memory_space<hbm>>
      %dma_wait3A_193 = tpu.memref_squeeze %dma_wait3A_192 : memref<1x8x1024xf32, #tpu.memory_space<hbm>> -> memref<8x1024xf32, #tpu.memory_space<hbm>>
      tpu.wait_dma2 semaphore(%arg18 : memref<!tpu.dma_semaphore, #tpu.memory_space<semaphore_mem>>) src(%dma_wait3A_193 : memref<8x1024xf32, #tpu.memory_space<hbm>>) dst(%arg8 : memref<8x1024xf32, #tpu.memory_space<vmem>>)
      %parallel_loop3A_194 = arith.constant 0 : i32
      %parallel_loop3A_195 = arith.constant 512 : i32
      %parallel_loop3A_196 = arith.constant 1 : i32
      scf.for %parallel_loop3A_405 = %parallel_loop3A_194 to %parallel_loop3A_195 step %parallel_loop3A_196  : i32 {
        %parallel_loop3A_406 = arith.constant 64 : i32
        %parallel_loop3A_407 = arith.divsi %parallel_loop3A_405, %parallel_loop3A_406 : i32
        %parallel_loop3A_408 = arith.constant 0 : i32
        %parallel_loop3A_409 = arith.cmpi sgt, %parallel_loop3A_405, %parallel_loop3A_408 : i32
        %parallel_loop3A_410 = arith.extui %parallel_loop3A_409 : i1 to i32
        %parallel_loop3A_411 = arith.constant 0 : i32
        %parallel_loop3A_412 = arith.cmpi slt, %parallel_loop3A_405, %parallel_loop3A_411 : i32
        %parallel_loop3A_413 = arith.extui %parallel_loop3A_412 : i1 to i32
        %parallel_loop3A_414 = arith.subi %parallel_loop3A_410, %parallel_loop3A_413 : i32
        %parallel_loop3A_415 = arith.constant 0 : i32
        %parallel_loop3A_416 = arith.cmpi sgt, %parallel_loop3A_406, %parallel_loop3A_415 : i32
        %parallel_loop3A_417 = arith.extui %parallel_loop3A_416 : i1 to i32
        %parallel_loop3A_418 = arith.constant 0 : i32
        %parallel_loop3A_419 = arith.cmpi slt, %parallel_loop3A_406, %parallel_loop3A_418 : i32
        %parallel_loop3A_420 = arith.extui %parallel_loop3A_419 : i1 to i32
        %parallel_loop3A_421 = arith.subi %parallel_loop3A_417, %parallel_loop3A_420 : i32
        %parallel_loop3A_422 = arith.cmpi ne, %parallel_loop3A_414, %parallel_loop3A_421 : i32
        %parallel_loop3A_423 = arith.remsi %parallel_loop3A_405, %parallel_loop3A_406 : i32
        %parallel_loop3A_424 = arith.constant 0 : i32
        %parallel_loop3A_425 = arith.cmpi ne, %parallel_loop3A_423, %parallel_loop3A_424 : i32
        %parallel_loop3A_426 = arith.andi %parallel_loop3A_422, %parallel_loop3A_425 : i1
        %parallel_loop3A_427 = arith.constant 1 : i32
        %parallel_loop3A_428 = arith.subi %parallel_loop3A_407, %parallel_loop3A_427 : i32
        %parallel_loop3A_429 = arith.select %parallel_loop3A_426, %parallel_loop3A_428, %parallel_loop3A_407 : i32
        %parallel_loop3A_430 = arith.constant 64 : i32
        %parallel_loop3A_431 = arith.constant 0 : i32
        %parallel_loop3A_432 = arith.cmpi eq, %parallel_loop3A_430, %parallel_loop3A_431 : i32
        %parallel_loop3A_433 = arith.constant 1 : i32
        %parallel_loop3A_434 = arith.select %parallel_loop3A_432, %parallel_loop3A_433, %parallel_loop3A_430 : i32
        %parallel_loop3A_435 = arith.remsi %parallel_loop3A_405, %parallel_loop3A_434 : i32
        %parallel_loop3A_436 = arith.constant 0 : i32
        %parallel_loop3A_437 = arith.cmpi ne, %parallel_loop3A_435, %parallel_loop3A_436 : i32
        %parallel_loop3A_438 = arith.constant 0 : i32
        %parallel_loop3A_439 = arith.cmpi slt, %parallel_loop3A_435, %parallel_loop3A_438 : i32
        %parallel_loop3A_440 = arith.constant 0 : i32
        %parallel_loop3A_441 = arith.cmpi slt, %parallel_loop3A_434, %parallel_loop3A_440 : i32
        %parallel_loop3A_442 = arith.xori %parallel_loop3A_439, %parallel_loop3A_441 : i1
        %parallel_loop3A_443 = arith.andi %parallel_loop3A_442, %parallel_loop3A_437 : i1
        %parallel_loop3A_444 = arith.addi %parallel_loop3A_435, %parallel_loop3A_434 : i32
        %parallel_loop3A_445 = arith.select %parallel_loop3A_443, %parallel_loop3A_444, %parallel_loop3A_435 : i32
        %parallel_loop3A_446 = arith.constant 16 : i32
        %parallel_loop3A_447 = arith.muli %parallel_loop3A_445, %parallel_loop3A_446 : i32
        %parallel_loop3A_448 = arith.index_cast %parallel_loop3A_429 : i32 to index
        %parallel_loop3A_449 = arith.index_cast %parallel_loop3A_447 : i32 to index
        %parallel_loop3A_450 = tpu.vector_load %arg13[%parallel_loop3A_448, %parallel_loop3A_449] {strides = array<i32>} : memref<8x1024xf32, #tpu.memory_space<vmem>>, vector<1x16xf32>,
        %parallel_loop3A_451 = vector.shape_cast %parallel_loop3A_450 : vector<1x16xf32> to vector<16xf32>
        %parallel_loop3A_452 = arith.index_cast %parallel_loop3A_429 : i32 to index
        %parallel_loop3A_453 = arith.index_cast %parallel_loop3A_447 : i32 to index
        %parallel_loop3A_454 = tpu.vector_load %arg8[%parallel_loop3A_452, %parallel_loop3A_453] {strides = array<i32>} : memref<8x1024xf32, #tpu.memory_space<vmem>>, vector<1x16xf32>,
        %parallel_loop3A_455 = vector.shape_cast %parallel_loop3A_454 : vector<1x16xf32> to vector<16xf32>
        %parallel_loop3A_456 = vector.shape_cast %parallel_loop3A_451 : vector<16xf32> to vector<1x16xf32>
        tpu.vector_store %arg8[%parallel_loop3A_452, %parallel_loop3A_453], %parallel_loop3A_456 {add = true, strides = array<i32>} : memref<8x1024xf32, #tpu.memory_space<vmem>>, vector<1x16xf32>,
      } {sc.loop_unroll_factor = 8 : i64, sc.parallel_access}
      %mul3A_197 = arith.constant 8 : i32
      %mul3A_198 = arith.muli %mul3A_131, %mul3A_197 : i32
      %add3A_199 = arith.addi %mul3A_2, %mul3A_198 : i32
      %dma_start3A_200 = arith.constant 0 : i32
      %dma_start3A_201 = arith.constant 0 : i32
      %dma_start3A_202 = tpu.memref_slice %arg4[%dma_start3A_200, %add3A_199, %dma_start3A_201] : memref<4x8192x1024xf32, #tpu.memory_space<hbm>> -> memref<1x8x1024xf32, #tpu.memory_space<hbm>>
      %dma_start3A_203 = tpu.memref_squeeze %dma_start3A_202 : memref<1x8x1024xf32, #tpu.memory_space<hbm>> -> memref<8x1024xf32, #tpu.memory_space<hbm>>
      %dma_start3A_204 = arith.constant 0 : i32
      %dma_start3A_205 = tpu.memref_slice %arg4[%dma_start3A_200, %add3A_199, %dma_start3A_204] : memref<4x8192x1024xf32, #tpu.memory_space<hbm>> -> memref<1x8x1024xf32, #tpu.memory_space<hbm>>
      %dma_start3A_206 = tpu.memref_squeeze %dma_start3A_205 : memref<1x8x1024xf32, #tpu.memory_space<hbm>> -> memref<8x1024xf32, #tpu.memory_space<hbm>>
      tpu.enqueue_dma source(%arg5 : memref<8x1024xf32, #tpu.memory_space<vmem>>) target(%dma_start3A_206 : memref<8x1024xf32, #tpu.memory_space<hbm>>) target_semaphore(%arg23 : memref<!tpu.dma_semaphore, #tpu.memory_space<semaphore_mem>>)
      %mul3A_207 = arith.constant 8 : i32
      %mul3A_208 = arith.muli %mul3A_131, %mul3A_207 : i32
      %add3A_209 = arith.addi %mul3A_2, %mul3A_208 : i32
      %dma_start3A_210 = arith.constant 1 : i32
      %dma_start3A_211 = arith.constant 0 : i32
      %dma_start3A_212 = tpu.memref_slice %arg4[%dma_start3A_210, %add3A_209, %dma_start3A_211] : memref<4x8192x1024xf32, #tpu.memory_space<hbm>> -> memref<1x8x1024xf32, #tpu.memory_space<hbm>>
      %dma_start3A_213 = tpu.memref_squeeze %dma_start3A_212 : memref<1x8x1024xf32, #tpu.memory_space<hbm>> -> memref<8x1024xf32, #tpu.memory_space<hbm>>
      %dma_start3A_214 = arith.constant 0 : i32
      %dma_start3A_215 = tpu.memref_slice %arg4[%dma_start3A_210, %add3A_209, %dma_start3A_214] : memref<4x8192x1024xf32, #tpu.memory_space<hbm>> -> memref<1x8x1024xf32, #tpu.memory_space<hbm>>
      %dma_start3A_216 = tpu.memref_squeeze %dma_start3A_215 : memref<1x8x1024xf32, #tpu.memory_space<hbm>> -> memref<8x1024xf32, #tpu.memory_space<hbm>>
      tpu.enqueue_dma source(%arg6 : memref<8x1024xf32, #tpu.memory_space<vmem>>) target(%dma_start3A_216 : memref<8x1024xf32, #tpu.memory_space<hbm>>) target_semaphore(%arg24 : memref<!tpu.dma_semaphore, #tpu.memory_space<semaphore_mem>>)
      %mul3A_217 = arith.constant 8 : i32
      %mul3A_218 = arith.muli %mul3A_131, %mul3A_217 : i32
      %add3A_219 = arith.addi %mul3A_2, %mul3A_218 : i32
      %dma_start3A_220 = arith.constant 2 : i32
      %dma_start3A_221 = arith.constant 0 : i32
      %dma_start3A_222 = tpu.memref_slice %arg4[%dma_start3A_220, %add3A_219, %dma_start3A_221] : memref<4x8192x1024xf32, #tpu.memory_space<hbm>> -> memref<1x8x1024xf32, #tpu.memory_space<hbm>>
      %dma_start3A_223 = tpu.memref_squeeze %dma_start3A_222 : memref<1x8x1024xf32, #tpu.memory_space<hbm>> -> memref<8x1024xf32, #tpu.memory_space<hbm>>
      %dma_start3A_224 = arith.constant 0 : i32
      %dma_start3A_225 = tpu.memref_slice %arg4[%dma_start3A_220, %add3A_219, %dma_start3A_224] : memref<4x8192x1024xf32, #tpu.memory_space<hbm>> -> memref<1x8x1024xf32, #tpu.memory_space<hbm>>
      %dma_start3A_226 = tpu.memref_squeeze %dma_start3A_225 : memref<1x8x1024xf32, #tpu.memory_space<hbm>> -> memref<8x1024xf32, #tpu.memory_space<hbm>>
      tpu.enqueue_dma source(%arg7 : memref<8x1024xf32, #tpu.memory_space<vmem>>) target(%dma_start3A_226 : memref<8x1024xf32, #tpu.memory_space<hbm>>) target_semaphore(%arg25 : memref<!tpu.dma_semaphore, #tpu.memory_space<semaphore_mem>>)
      %mul3A_227 = arith.constant 8 : i32
      %mul3A_228 = arith.muli %mul3A_131, %mul3A_227 : i32
      %add3A_229 = arith.addi %mul3A_2, %mul3A_228 : i32
      %dma_start3A_230 = arith.constant 3 : i32
      %dma_start3A_231 = arith.constant 0 : i32
      %dma_start3A_232 = tpu.memref_slice %arg4[%dma_start3A_230, %add3A_229, %dma_start3A_231] : memref<4x8192x1024xf32, #tpu.memory_space<hbm>> -> memref<1x8x1024xf32, #tpu.memory_space<hbm>>
      %dma_start3A_233 = tpu.memref_squeeze %dma_start3A_232 : memref<1x8x1024xf32, #tpu.memory_space<hbm>> -> memref<8x1024xf32, #tpu.memory_space<hbm>>
      %dma_start3A_234 = arith.constant 0 : i32
      %dma_start3A_235 = tpu.memref_slice %arg4[%dma_start3A_230, %add3A_229, %dma_start3A_234] : memref<4x8192x1024xf32, #tpu.memory_space<hbm>> -> memref<1x8x1024xf32, #tpu.memory_space<hbm>>
      %dma_start3A_236 = tpu.memref_squeeze %dma_start3A_235 : memref<1x8x1024xf32, #tpu.memory_space<hbm>> -> memref<8x1024xf32, #tpu.memory_space<hbm>>
      tpu.enqueue_dma source(%arg8 : memref<8x1024xf32, #tpu.memory_space<vmem>>) target(%dma_start3A_236 : memref<8x1024xf32, #tpu.memory_space<hbm>>) target_semaphore(%arg26 : memref<!tpu.dma_semaphore, #tpu.memory_space<semaphore_mem>>)
      %not3A = arith.constant true
      %not3A_237 = arith.xori %eq3A_136, %not3A : i1
      %convert_element_type3A_238 = arith.extui %not3A_237 : i1 to i32
      %cond3A_239 = arith.constant 0 : i32
      %cond3A_240 = arith.cmpi ne, %convert_element_type3A_238, %cond3A_239 : i32
      scf.if %cond3A_240 {
        %add3A_405 = arith.constant 2 : i32
        %add3A_406 = arith.addi %mul3A_131, %add3A_405 : i32
        %mul3A_407 = arith.constant 8 : i32
        %mul3A_408 = arith.muli %add3A_406, %mul3A_407 : i32
        %add3A_409 = arith.addi %mul3A_2, %mul3A_408 : i32
        %dma_start3A_410 = arith.constant 0 : i32
        %dma_start3A_411 = tpu.memref_slice %arg3[%add3A_409, %dma_start3A_410] : memref<8192x1024xf32, #tpu.memory_space<hbm>> -> memref<8x1024xf32, #tpu.memory_space<hbm>>
        %dma_start3A_412 = arith.constant 0 : i32
        %dma_start3A_413 = tpu.memref_slice %arg3[%add3A_409, %dma_start3A_412] : memref<8192x1024xf32, #tpu.memory_space<hbm>> -> memref<8x1024xf32, #tpu.memory_space<hbm>>
        tpu.enqueue_dma source(%dma_start3A_413 : memref<8x1024xf32, #tpu.memory_space<hbm>>) target(%arg13 : memref<8x1024xf32, #tpu.memory_space<vmem>>) target_semaphore(%arg31 : memref<!tpu.dma_semaphore, #tpu.memory_space<semaphore_mem>>)
      } else {
      }
      %mul3A_241 = arith.constant 8 : i32
      %mul3A_242 = arith.muli %mul3A_131, %mul3A_241 : i32
      %add3A_243 = arith.addi %mul3A_2, %mul3A_242 : i32
      %dma_wait3A_244 = arith.constant 0 : i32
      %dma_wait3A_245 = arith.constant 0 : i32
      %dma_wait3A_246 = tpu.memref_slice %arg4[%dma_wait3A_244, %add3A_243, %dma_wait3A_245] : memref<4x8192x1024xf32, #tpu.memory_space<hbm>> -> memref<1x8x1024xf32, #tpu.memory_space<hbm>>
      %dma_wait3A_247 = tpu.memref_squeeze %dma_wait3A_246 : memref<1x8x1024xf32, #tpu.memory_space<hbm>> -> memref<8x1024xf32, #tpu.memory_space<hbm>>
      %dma_wait3A_248 = arith.constant 0 : i32
      %dma_wait3A_249 = tpu.memref_slice %arg4[%dma_wait3A_244, %add3A_243, %dma_wait3A_248] : memref<4x8192x1024xf32, #tpu.memory_space<hbm>> -> memref<1x8x1024xf32, #tpu.memory_space<hbm>>
      %dma_wait3A_250 = tpu.memref_squeeze %dma_wait3A_249 : memref<1x8x1024xf32, #tpu.memory_space<hbm>> -> memref<8x1024xf32, #tpu.memory_space<hbm>>
      tpu.wait_dma2 semaphore(%arg23 : memref<!tpu.dma_semaphore, #tpu.memory_space<semaphore_mem>>) src(%arg5 : memref<8x1024xf32, #tpu.memory_space<vmem>>) dst(%dma_wait3A_250 : memref<8x1024xf32, #tpu.memory_space<hbm>>)
      %not3A_251 = arith.constant true
      %not3A_252 = arith.xori %eq3A_136, %not3A_251 : i1
      %convert_element_type3A_253 = arith.extui %not3A_252 : i1 to i32
      %cond3A_254 = arith.constant 0 : i32
      %cond3A_255 = arith.cmpi ne, %convert_element_type3A_253, %cond3A_254 : i32
      scf.if %cond3A_255 {
        %add3A_405 = arith.constant 2 : i32
        %add3A_406 = arith.addi %mul3A_131, %add3A_405 : i32
        %mul3A_407 = arith.constant 8 : i32
        %mul3A_408 = arith.muli %add3A_406, %mul3A_407 : i32
        %add3A_409 = arith.addi %mul3A_2, %mul3A_408 : i32
        %dma_start3A_410 = arith.constant 0 : i32
        %dma_start3A_411 = arith.constant 0 : i32
        %dma_start3A_412 = tpu.memref_slice %arg2[%dma_start3A_410, %add3A_409, %dma_start3A_411] : memref<4x8192x1024xf32, #tpu.memory_space<hbm>> -> memref<1x8x1024xf32, #tpu.memory_space<hbm>>
        %dma_start3A_413 = tpu.memref_squeeze %dma_start3A_412 : memref<1x8x1024xf32, #tpu.memory_space<hbm>> -> memref<8x1024xf32, #tpu.memory_space<hbm>>
        %dma_start3A_414 = arith.constant 0 : i32
        %dma_start3A_415 = tpu.memref_slice %arg2[%dma_start3A_410, %add3A_409, %dma_start3A_414] : memref<4x8192x1024xf32, #tpu.memory_space<hbm>> -> memref<1x8x1024xf32, #tpu.memory_space<hbm>>
        %dma_start3A_416 = tpu.memref_squeeze %dma_start3A_415 : memref<1x8x1024xf32, #tpu.memory_space<hbm>> -> memref<8x1024xf32, #tpu.memory_space<hbm>>
        tpu.enqueue_dma source(%dma_start3A_416 : memref<8x1024xf32, #tpu.memory_space<hbm>>) target(%arg5 : memref<8x1024xf32, #tpu.memory_space<vmem>>) target_semaphore(%arg15 : memref<!tpu.dma_semaphore, #tpu.memory_space<semaphore_mem>>)
      } else {
      }
      %mul3A_256 = arith.constant 8 : i32
      %mul3A_257 = arith.muli %mul3A_131, %mul3A_256 : i32
      %add3A_258 = arith.addi %mul3A_2, %mul3A_257 : i32
      %dma_wait3A_259 = arith.constant 1 : i32
      %dma_wait3A_260 = arith.constant 0 : i32
      %dma_wait3A_261 = tpu.memref_slice %arg4[%dma_wait3A_259, %add3A_258, %dma_wait3A_260] : memref<4x8192x1024xf32, #tpu.memory_space<hbm>> -> memref<1x8x1024xf32, #tpu.memory_space<hbm>>
      %dma_wait3A_262 = tpu.memref_squeeze %dma_wait3A_261 : memref<1x8x1024xf32, #tpu.memory_space<hbm>> -> memref<8x1024xf32, #tpu.memory_space<hbm>>
      %dma_wait3A_263 = arith.constant 0 : i32
      %dma_wait3A_264 = tpu.memref_slice %arg4[%dma_wait3A_259, %add3A_258, %dma_wait3A_263] : memref<4x8192x1024xf32, #tpu.memory_space<hbm>> -> memref<1x8x1024xf32, #tpu.memory_space<hbm>>
      %dma_wait3A_265 = tpu.memref_squeeze %dma_wait3A_264 : memref<1x8x1024xf32, #tpu.memory_space<hbm>> -> memref<8x1024xf32, #tpu.memory_space<hbm>>
      tpu.wait_dma2 semaphore(%arg24 : memref<!tpu.dma_semaphore, #tpu.memory_space<semaphore_mem>>) src(%arg6 : memref<8x1024xf32, #tpu.memory_space<vmem>>) dst(%dma_wait3A_265 : memref<8x1024xf32, #tpu.memory_space<hbm>>)
      %not3A_266 = arith.constant true
      %not3A_267 = arith.xori %eq3A_136, %not3A_266 : i1
      %convert_element_type3A_268 = arith.extui %not3A_267 : i1 to i32
      %cond3A_269 = arith.constant 0 : i32
      %cond3A_270 = arith.cmpi ne, %convert_element_type3A_268, %cond3A_269 : i32
      scf.if %cond3A_270 {
        %add3A_405 = arith.constant 2 : i32
        %add3A_406 = arith.addi %mul3A_131, %add3A_405 : i32
        %mul3A_407 = arith.constant 8 : i32
        %mul3A_408 = arith.muli %add3A_406, %mul3A_407 : i32
        %add3A_409 = arith.addi %mul3A_2, %mul3A_408 : i32
        %dma_start3A_410 = arith.constant 1 : i32
        %dma_start3A_411 = arith.constant 0 : i32
        %dma_start3A_412 = tpu.memref_slice %arg2[%dma_start3A_410, %add3A_409, %dma_start3A_411] : memref<4x8192x1024xf32, #tpu.memory_space<hbm>> -> memref<1x8x1024xf32, #tpu.memory_space<hbm>>
        %dma_start3A_413 = tpu.memref_squeeze %dma_start3A_412 : memref<1x8x1024xf32, #tpu.memory_space<hbm>> -> memref<8x1024xf32, #tpu.memory_space<hbm>>
        %dma_start3A_414 = arith.constant 0 : i32
        %dma_start3A_415 = tpu.memref_slice %arg2[%dma_start3A_410, %add3A_409, %dma_start3A_414] : memref<4x8192x1024xf32, #tpu.memory_space<hbm>> -> memref<1x8x1024xf32, #tpu.memory_space<hbm>>
        %dma_start3A_416 = tpu.memref_squeeze %dma_start3A_415 : memref<1x8x1024xf32, #tpu.memory_space<hbm>> -> memref<8x1024xf32, #tpu.memory_space<hbm>>
        tpu.enqueue_dma source(%dma_start3A_416 : memref<8x1024xf32, #tpu.memory_space<hbm>>) target(%arg6 : memref<8x1024xf32, #tpu.memory_space<vmem>>) target_semaphore(%arg16 : memref<!tpu.dma_semaphore, #tpu.memory_space<semaphore_mem>>)
      } else {
      }
      %mul3A_271 = arith.constant 8 : i32
      %mul3A_272 = arith.muli %mul3A_131, %mul3A_271 : i32
      %add3A_273 = arith.addi %mul3A_2, %mul3A_272 : i32
      %dma_wait3A_274 = arith.constant 2 : i32
      %dma_wait3A_275 = arith.constant 0 : i32
      %dma_wait3A_276 = tpu.memref_slice %arg4[%dma_wait3A_274, %add3A_273, %dma_wait3A_275] : memref<4x8192x1024xf32, #tpu.memory_space<hbm>> -> memref<1x8x1024xf32, #tpu.memory_space<hbm>>
      %dma_wait3A_277 = tpu.memref_squeeze %dma_wait3A_276 : memref<1x8x1024xf32, #tpu.memory_space<hbm>> -> memref<8x1024xf32, #tpu.memory_space<hbm>>
      %dma_wait3A_278 = arith.constant 0 : i32
      %dma_wait3A_279 = tpu.memref_slice %arg4[%dma_wait3A_274, %add3A_273, %dma_wait3A_278] : memref<4x8192x1024xf32, #tpu.memory_space<hbm>> -> memref<1x8x1024xf32, #tpu.memory_space<hbm>>
      %dma_wait3A_280 = tpu.memref_squeeze %dma_wait3A_279 : memref<1x8x1024xf32, #tpu.memory_space<hbm>> -> memref<8x1024xf32, #tpu.memory_space<hbm>>
      tpu.wait_dma2 semaphore(%arg25 : memref<!tpu.dma_semaphore, #tpu.memory_space<semaphore_mem>>) src(%arg7 : memref<8x1024xf32, #tpu.memory_space<vmem>>) dst(%dma_wait3A_280 : memref<8x1024xf32, #tpu.memory_space<hbm>>)
      %not3A_281 = arith.constant true
      %not3A_282 = arith.xori %eq3A_136, %not3A_281 : i1
      %convert_element_type3A_283 = arith.extui %not3A_282 : i1 to i32
      %cond3A_284 = arith.constant 0 : i32
      %cond3A_285 = arith.cmpi ne, %convert_element_type3A_283, %cond3A_284 : i32
      scf.if %cond3A_285 {
        %add3A_405 = arith.constant 2 : i32
        %add3A_406 = arith.addi %mul3A_131, %add3A_405 : i32
        %mul3A_407 = arith.constant 8 : i32
        %mul3A_408 = arith.muli %add3A_406, %mul3A_407 : i32
        %add3A_409 = arith.addi %mul3A_2, %mul3A_408 : i32
        %dma_start3A_410 = arith.constant 2 : i32
        %dma_start3A_411 = arith.constant 0 : i32
        %dma_start3A_412 = tpu.memref_slice %arg2[%dma_start3A_410, %add3A_409, %dma_start3A_411] : memref<4x8192x1024xf32, #tpu.memory_space<hbm>> -> memref<1x8x1024xf32, #tpu.memory_space<hbm>>
        %dma_start3A_413 = tpu.memref_squeeze %dma_start3A_412 : memref<1x8x1024xf32, #tpu.memory_space<hbm>> -> memref<8x1024xf32, #tpu.memory_space<hbm>>
        %dma_start3A_414 = arith.constant 0 : i32
        %dma_start3A_415 = tpu.memref_slice %arg2[%dma_start3A_410, %add3A_409, %dma_start3A_414] : memref<4x8192x1024xf32, #tpu.memory_space<hbm>> -> memref<1x8x1024xf32, #tpu.memory_space<hbm>>
        %dma_start3A_416 = tpu.memref_squeeze %dma_start3A_415 : memref<1x8x1024xf32, #tpu.memory_space<hbm>> -> memref<8x1024xf32, #tpu.memory_space<hbm>>
        tpu.enqueue_dma source(%dma_start3A_416 : memref<8x1024xf32, #tpu.memory_space<hbm>>) target(%arg7 : memref<8x1024xf32, #tpu.memory_space<vmem>>) target_semaphore(%arg17 : memref<!tpu.dma_semaphore, #tpu.memory_space<semaphore_mem>>)
      } else {
      }
      %mul3A_286 = arith.constant 8 : i32
      %mul3A_287 = arith.muli %mul3A_131, %mul3A_286 : i32
      %add3A_288 = arith.addi %mul3A_2, %mul3A_287 : i32
      %dma_wait3A_289 = arith.constant 3 : i32
      %dma_wait3A_290 = arith.constant 0 : i32
      %dma_wait3A_291 = tpu.memref_slice %arg4[%dma_wait3A_289, %add3A_288, %dma_wait3A_290] : memref<4x8192x1024xf32, #tpu.memory_space<hbm>> -> memref<1x8x1024xf32, #tpu.memory_space<hbm>>
      %dma_wait3A_292 = tpu.memref_squeeze %dma_wait3A_291 : memref<1x8x1024xf32, #tpu.memory_space<hbm>> -> memref<8x1024xf32, #tpu.memory_space<hbm>>
      %dma_wait3A_293 = arith.constant 0 : i32
      %dma_wait3A_294 = tpu.memref_slice %arg4[%dma_wait3A_289, %add3A_288, %dma_wait3A_293] : memref<4x8192x1024xf32, #tpu.memory_space<hbm>> -> memref<1x8x1024xf32, #tpu.memory_space<hbm>>
      %dma_wait3A_295 = tpu.memref_squeeze %dma_wait3A_294 : memref<1x8x1024xf32, #tpu.memory_space<hbm>> -> memref<8x1024xf32, #tpu.memory_space<hbm>>
      tpu.wait_dma2 semaphore(%arg26 : memref<!tpu.dma_semaphore, #tpu.memory_space<semaphore_mem>>) src(%arg8 : memref<8x1024xf32, #tpu.memory_space<vmem>>) dst(%dma_wait3A_295 : memref<8x1024xf32, #tpu.memory_space<hbm>>)
      %not3A_296 = arith.constant true
      %not3A_297 = arith.xori %eq3A_136, %not3A_296 : i1
      %convert_element_type3A_298 = arith.extui %not3A_297 : i1 to i32
      %cond3A_299 = arith.constant 0 : i32
      %cond3A_300 = arith.cmpi ne, %convert_element_type3A_298, %cond3A_299 : i32
      scf.if %cond3A_300 {
        %add3A_405 = arith.constant 2 : i32
        %add3A_406 = arith.addi %mul3A_131, %add3A_405 : i32
        %mul3A_407 = arith.constant 8 : i32
        %mul3A_408 = arith.muli %add3A_406, %mul3A_407 : i32
        %add3A_409 = arith.addi %mul3A_2, %mul3A_408 : i32
        %dma_start3A_410 = arith.constant 3 : i32
        %dma_start3A_411 = arith.constant 0 : i32
        %dma_start3A_412 = tpu.memref_slice %arg2[%dma_start3A_410, %add3A_409, %dma_start3A_411] : memref<4x8192x1024xf32, #tpu.memory_space<hbm>> -> memref<1x8x1024xf32, #tpu.memory_space<hbm>>
        %dma_start3A_413 = tpu.memref_squeeze %dma_start3A_412 : memref<1x8x1024xf32, #tpu.memory_space<hbm>> -> memref<8x1024xf32, #tpu.memory_space<hbm>>
        %dma_start3A_414 = arith.constant 0 : i32
        %dma_start3A_415 = tpu.memref_slice %arg2[%dma_start3A_410, %add3A_409, %dma_start3A_414] : memref<4x8192x1024xf32, #tpu.memory_space<hbm>> -> memref<1x8x1024xf32, #tpu.memory_space<hbm>>
        %dma_start3A_416 = tpu.memref_squeeze %dma_start3A_415 : memref<1x8x1024xf32, #tpu.memory_space<hbm>> -> memref<8x1024xf32, #tpu.memory_space<hbm>>
        tpu.enqueue_dma source(%dma_start3A_416 : memref<8x1024xf32, #tpu.memory_space<hbm>>) target(%arg8 : memref<8x1024xf32, #tpu.memory_space<vmem>>) target_semaphore(%arg18 : memref<!tpu.dma_semaphore, #tpu.memory_space<semaphore_mem>>)
      } else {
      }
      %mul3A_301 = arith.constant 8 : i32
      %mul3A_302 = arith.muli %add3A_135, %mul3A_301 : i32
      %add3A_303 = arith.addi %mul3A_2, %mul3A_302 : i32
      %dma_wait3A_304 = arith.constant 0 : i32
      %dma_wait3A_305 = tpu.memref_slice %arg3[%add3A_303, %dma_wait3A_304] : memref<8192x1024xf32, #tpu.memory_space<hbm>> -> memref<8x1024xf32, #tpu.memory_space<hbm>>
      %dma_wait3A_306 = arith.constant 0 : i32
      %dma_wait3A_307 = tpu.memref_slice %arg3[%add3A_303, %dma_wait3A_306] : memref<8192x1024xf32, #tpu.memory_space<hbm>> -> memref<8x1024xf32, #tpu.memory_space<hbm>>
      tpu.wait_dma2 semaphore(%arg32 : memref<!tpu.dma_semaphore, #tpu.memory_space<semaphore_mem>>) src(%dma_wait3A_307 : memref<8x1024xf32, #tpu.memory_space<hbm>>) dst(%arg14 : memref<8x1024xf32, #tpu.memory_space<vmem>>)
      %mul3A_308 = arith.constant 8 : i32
      %mul3A_309 = arith.muli %add3A_135, %mul3A_308 : i32
      %add3A_310 = arith.addi %mul3A_2, %mul3A_309 : i32
      %dma_wait3A_311 = arith.constant 0 : i32
      %dma_wait3A_312 = arith.constant 0 : i32
      %dma_wait3A_313 = tpu.memref_slice %arg2[%dma_wait3A_311, %add3A_310, %dma_wait3A_312] : memref<4x8192x1024xf32, #tpu.memory_space<hbm>> -> memref<1x8x1024xf32, #tpu.memory_space<hbm>>
      %dma_wait3A_314 = tpu.memref_squeeze %dma_wait3A_313 : memref<1x8x1024xf32, #tpu.memory_space<hbm>> -> memref<8x1024xf32, #tpu.memory_space<hbm>>
      %dma_wait3A_315 = arith.constant 0 : i32
      %dma_wait3A_316 = tpu.memref_slice %arg2[%dma_wait3A_311, %add3A_310, %dma_wait3A_315] : memref<4x8192x1024xf32, #tpu.memory_space<hbm>> -> memref<1x8x1024xf32, #tpu.memory_space<hbm>>
      %dma_wait3A_317 = tpu.memref_squeeze %dma_wait3A_316 : memref<1x8x1024xf32, #tpu.memory_space<hbm>> -> memref<8x1024xf32, #tpu.memory_space<hbm>>
      tpu.wait_dma2 semaphore(%arg19 : memref<!tpu.dma_semaphore, #tpu.memory_space<semaphore_mem>>) src(%dma_wait3A_317 : memref<8x1024xf32, #tpu.memory_space<hbm>>) dst(%arg9 : memref<8x1024xf32, #tpu.memory_space<vmem>>)
      %parallel_loop3A_318 = arith.constant 0 : i32
      %parallel_loop3A_319 = arith.constant 512 : i32
      %parallel_loop3A_320 = arith.constant 1 : i32
      scf.for %parallel_loop3A_405 = %parallel_loop3A_318 to %parallel_loop3A_319 step %parallel_loop3A_320  : i32 {
        %parallel_loop3A_406 = arith.constant 64 : i32
        %parallel_loop3A_407 = arith.divsi %parallel_loop3A_405, %parallel_loop3A_406 : i32
        %parallel_loop3A_408 = arith.constant 0 : i32
        %parallel_loop3A_409 = arith.cmpi sgt, %parallel_loop3A_405, %parallel_loop3A_408 : i32
        %parallel_loop3A_410 = arith.extui %parallel_loop3A_409 : i1 to i32
        %parallel_loop3A_411 = arith.constant 0 : i32
        %parallel_loop3A_412 = arith.cmpi slt, %parallel_loop3A_405, %parallel_loop3A_411 : i32
        %parallel_loop3A_413 = arith.extui %parallel_loop3A_412 : i1 to i32
        %parallel_loop3A_414 = arith.subi %parallel_loop3A_410, %parallel_loop3A_413 : i32
        %parallel_loop3A_415 = arith.constant 0 : i32
        %parallel_loop3A_416 = arith.cmpi sgt, %parallel_loop3A_406, %parallel_loop3A_415 : i32
        %parallel_loop3A_417 = arith.extui %parallel_loop3A_416 : i1 to i32
        %parallel_loop3A_418 = arith.constant 0 : i32
        %parallel_loop3A_419 = arith.cmpi slt, %parallel_loop3A_406, %parallel_loop3A_418 : i32
        %parallel_loop3A_420 = arith.extui %parallel_loop3A_419 : i1 to i32
        %parallel_loop3A_421 = arith.subi %parallel_loop3A_417, %parallel_loop3A_420 : i32
        %parallel_loop3A_422 = arith.cmpi ne, %parallel_loop3A_414, %parallel_loop3A_421 : i32
        %parallel_loop3A_423 = arith.remsi %parallel_loop3A_405, %parallel_loop3A_406 : i32
        %parallel_loop3A_424 = arith.constant 0 : i32
        %parallel_loop3A_425 = arith.cmpi ne, %parallel_loop3A_423, %parallel_loop3A_424 : i32
        %parallel_loop3A_426 = arith.andi %parallel_loop3A_422, %parallel_loop3A_425 : i1
        %parallel_loop3A_427 = arith.constant 1 : i32
        %parallel_loop3A_428 = arith.subi %parallel_loop3A_407, %parallel_loop3A_427 : i32
        %parallel_loop3A_429 = arith.select %parallel_loop3A_426, %parallel_loop3A_428, %parallel_loop3A_407 : i32
        %parallel_loop3A_430 = arith.constant 64 : i32
        %parallel_loop3A_431 = arith.constant 0 : i32
        %parallel_loop3A_432 = arith.cmpi eq, %parallel_loop3A_430, %parallel_loop3A_431 : i32
        %parallel_loop3A_433 = arith.constant 1 : i32
        %parallel_loop3A_434 = arith.select %parallel_loop3A_432, %parallel_loop3A_433, %parallel_loop3A_430 : i32
        %parallel_loop3A_435 = arith.remsi %parallel_loop3A_405, %parallel_loop3A_434 : i32
        %parallel_loop3A_436 = arith.constant 0 : i32
        %parallel_loop3A_437 = arith.cmpi ne, %parallel_loop3A_435, %parallel_loop3A_436 : i32
        %parallel_loop3A_438 = arith.constant 0 : i32
        %parallel_loop3A_439 = arith.cmpi slt, %parallel_loop3A_435, %parallel_loop3A_438 : i32
        %parallel_loop3A_440 = arith.constant 0 : i32
        %parallel_loop3A_441 = arith.cmpi slt, %parallel_loop3A_434, %parallel_loop3A_440 : i32
        %parallel_loop3A_442 = arith.xori %parallel_loop3A_439, %parallel_loop3A_441 : i1
        %parallel_loop3A_443 = arith.andi %parallel_loop3A_442, %parallel_loop3A_437 : i1
        %parallel_loop3A_444 = arith.addi %parallel_loop3A_435, %parallel_loop3A_434 : i32
        %parallel_loop3A_445 = arith.select %parallel_loop3A_443, %parallel_loop3A_444, %parallel_loop3A_435 : i32
        %parallel_loop3A_446 = arith.constant 16 : i32
        %parallel_loop3A_447 = arith.muli %parallel_loop3A_445, %parallel_loop3A_446 : i32
        %parallel_loop3A_448 = arith.index_cast %parallel_loop3A_429 : i32 to index
        %parallel_loop3A_449 = arith.index_cast %parallel_loop3A_447 : i32 to index
        %parallel_loop3A_450 = tpu.vector_load %arg14[%parallel_loop3A_448, %parallel_loop3A_449] {strides = array<i32>} : memref<8x1024xf32, #tpu.memory_space<vmem>>, vector<1x16xf32>,
        %parallel_loop3A_451 = vector.shape_cast %parallel_loop3A_450 : vector<1x16xf32> to vector<16xf32>
        %parallel_loop3A_452 = arith.index_cast %parallel_loop3A_429 : i32 to index
        %parallel_loop3A_453 = arith.index_cast %parallel_loop3A_447 : i32 to index
        %parallel_loop3A_454 = tpu.vector_load %arg9[%parallel_loop3A_452, %parallel_loop3A_453] {strides = array<i32>} : memref<8x1024xf32, #tpu.memory_space<vmem>>, vector<1x16xf32>,
        %parallel_loop3A_455 = vector.shape_cast %parallel_loop3A_454 : vector<1x16xf32> to vector<16xf32>
        %parallel_loop3A_456 = vector.shape_cast %parallel_loop3A_451 : vector<16xf32> to vector<1x16xf32>
        tpu.vector_store %arg9[%parallel_loop3A_452, %parallel_loop3A_453], %parallel_loop3A_456 {add = true, strides = array<i32>} : memref<8x1024xf32, #tpu.memory_space<vmem>>, vector<1x16xf32>,
      } {sc.loop_unroll_factor = 8 : i64, sc.parallel_access}
      %mul3A_321 = arith.constant 8 : i32
      %mul3A_322 = arith.muli %add3A_135, %mul3A_321 : i32
      %add3A_323 = arith.addi %mul3A_2, %mul3A_322 : i32
      %dma_wait3A_324 = arith.constant 1 : i32
      %dma_wait3A_325 = arith.constant 0 : i32
      %dma_wait3A_326 = tpu.memref_slice %arg2[%dma_wait3A_324, %add3A_323, %dma_wait3A_325] : memref<4x8192x1024xf32, #tpu.memory_space<hbm>> -> memref<1x8x1024xf32, #tpu.memory_space<hbm>>
      %dma_wait3A_327 = tpu.memref_squeeze %dma_wait3A_326 : memref<1x8x1024xf32, #tpu.memory_space<hbm>> -> memref<8x1024xf32, #tpu.memory_space<hbm>>
      %dma_wait3A_328 = arith.constant 0 : i32
      %dma_wait3A_329 = tpu.memref_slice %arg2[%dma_wait3A_324, %add3A_323, %dma_wait3A_328] : memref<4x8192x1024xf32, #tpu.memory_space<hbm>> -> memref<1x8x1024xf32, #tpu.memory_space<hbm>>
      %dma_wait3A_330 = tpu.memref_squeeze %dma_wait3A_329 : memref<1x8x1024xf32, #tpu.memory_space<hbm>> -> memref<8x1024xf32, #tpu.memory_space<hbm>>
      tpu.wait_dma2 semaphore(%arg20 : memref<!tpu.dma_semaphore, #tpu.memory_space<semaphore_mem>>) src(%dma_wait3A_330 : memref<8x1024xf32, #tpu.memory_space<hbm>>) dst(%arg10 : memref<8x1024xf32, #tpu.memory_space<vmem>>)
      %parallel_loop3A_331 = arith.constant 0 : i32
      %parallel_loop3A_332 = arith.constant 512 : i32
      %parallel_loop3A_333 = arith.constant 1 : i32
      scf.for %parallel_loop3A_405 = %parallel_loop3A_331 to %parallel_loop3A_332 step %parallel_loop3A_333  : i32 {
        %parallel_loop3A_406 = arith.constant 64 : i32
        %parallel_loop3A_407 = arith.divsi %parallel_loop3A_405, %parallel_loop3A_406 : i32
        %parallel_loop3A_408 = arith.constant 0 : i32
        %parallel_loop3A_409 = arith.cmpi sgt, %parallel_loop3A_405, %parallel_loop3A_408 : i32
        %parallel_loop3A_410 = arith.extui %parallel_loop3A_409 : i1 to i32
        %parallel_loop3A_411 = arith.constant 0 : i32
        %parallel_loop3A_412 = arith.cmpi slt, %parallel_loop3A_405, %parallel_loop3A_411 : i32
        %parallel_loop3A_413 = arith.extui %parallel_loop3A_412 : i1 to i32
        %parallel_loop3A_414 = arith.subi %parallel_loop3A_410, %parallel_loop3A_413 : i32
        %parallel_loop3A_415 = arith.constant 0 : i32
        %parallel_loop3A_416 = arith.cmpi sgt, %parallel_loop3A_406, %parallel_loop3A_415 : i32
        %parallel_loop3A_417 = arith.extui %parallel_loop3A_416 : i1 to i32
        %parallel_loop3A_418 = arith.constant 0 : i32
        %parallel_loop3A_419 = arith.cmpi slt, %parallel_loop3A_406, %parallel_loop3A_418 : i32
        %parallel_loop3A_420 = arith.extui %parallel_loop3A_419 : i1 to i32
        %parallel_loop3A_421 = arith.subi %parallel_loop3A_417, %parallel_loop3A_420 : i32
        %parallel_loop3A_422 = arith.cmpi ne, %parallel_loop3A_414, %parallel_loop3A_421 : i32
        %parallel_loop3A_423 = arith.remsi %parallel_loop3A_405, %parallel_loop3A_406 : i32
        %parallel_loop3A_424 = arith.constant 0 : i32
        %parallel_loop3A_425 = arith.cmpi ne, %parallel_loop3A_423, %parallel_loop3A_424 : i32
        %parallel_loop3A_426 = arith.andi %parallel_loop3A_422, %parallel_loop3A_425 : i1
        %parallel_loop3A_427 = arith.constant 1 : i32
        %parallel_loop3A_428 = arith.subi %parallel_loop3A_407, %parallel_loop3A_427 : i32
        %parallel_loop3A_429 = arith.select %parallel_loop3A_426, %parallel_loop3A_428, %parallel_loop3A_407 : i32
        %parallel_loop3A_430 = arith.constant 64 : i32
        %parallel_loop3A_431 = arith.constant 0 : i32
        %parallel_loop3A_432 = arith.cmpi eq, %parallel_loop3A_430, %parallel_loop3A_431 : i32
        %parallel_loop3A_433 = arith.constant 1 : i32
        %parallel_loop3A_434 = arith.select %parallel_loop3A_432, %parallel_loop3A_433, %parallel_loop3A_430 : i32
        %parallel_loop3A_435 = arith.remsi %parallel_loop3A_405, %parallel_loop3A_434 : i32
        %parallel_loop3A_436 = arith.constant 0 : i32
        %parallel_loop3A_437 = arith.cmpi ne, %parallel_loop3A_435, %parallel_loop3A_436 : i32
        %parallel_loop3A_438 = arith.constant 0 : i32
        %parallel_loop3A_439 = arith.cmpi slt, %parallel_loop3A_435, %parallel_loop3A_438 : i32
        %parallel_loop3A_440 = arith.constant 0 : i32
        %parallel_loop3A_441 = arith.cmpi slt, %parallel_loop3A_434, %parallel_loop3A_440 : i32
        %parallel_loop3A_442 = arith.xori %parallel_loop3A_439, %parallel_loop3A_441 : i1
        %parallel_loop3A_443 = arith.andi %parallel_loop3A_442, %parallel_loop3A_437 : i1
        %parallel_loop3A_444 = arith.addi %parallel_loop3A_435, %parallel_loop3A_434 : i32
        %parallel_loop3A_445 = arith.select %parallel_loop3A_443, %parallel_loop3A_444, %parallel_loop3A_435 : i32
        %parallel_loop3A_446 = arith.constant 16 : i32
        %parallel_loop3A_447 = arith.muli %parallel_loop3A_445, %parallel_loop3A_446 : i32
        %parallel_loop3A_448 = arith.index_cast %parallel_loop3A_429 : i32 to index
        %parallel_loop3A_449 = arith.index_cast %parallel_loop3A_447 : i32 to index
        %parallel_loop3A_450 = tpu.vector_load %arg14[%parallel_loop3A_448, %parallel_loop3A_449] {strides = array<i32>} : memref<8x1024xf32, #tpu.memory_space<vmem>>, vector<1x16xf32>,
        %parallel_loop3A_451 = vector.shape_cast %parallel_loop3A_450 : vector<1x16xf32> to vector<16xf32>
        %parallel_loop3A_452 = arith.index_cast %parallel_loop3A_429 : i32 to index
        %parallel_loop3A_453 = arith.index_cast %parallel_loop3A_447 : i32 to index
        %parallel_loop3A_454 = tpu.vector_load %arg10[%parallel_loop3A_452, %parallel_loop3A_453] {strides = array<i32>} : memref<8x1024xf32, #tpu.memory_space<vmem>>, vector<1x16xf32>,
        %parallel_loop3A_455 = vector.shape_cast %parallel_loop3A_454 : vector<1x16xf32> to vector<16xf32>
        %parallel_loop3A_456 = vector.shape_cast %parallel_loop3A_451 : vector<16xf32> to vector<1x16xf32>
        tpu.vector_store %arg10[%parallel_loop3A_452, %parallel_loop3A_453], %parallel_loop3A_456 {add = true, strides = array<i32>} : memref<8x1024xf32, #tpu.memory_space<vmem>>, vector<1x16xf32>,
      } {sc.loop_unroll_factor = 8 : i64, sc.parallel_access}
      %mul3A_334 = arith.constant 8 : i32
      %mul3A_335 = arith.muli %add3A_135, %mul3A_334 : i32
      %add3A_336 = arith.addi %mul3A_2, %mul3A_335 : i32
      %dma_wait3A_337 = arith.constant 2 : i32
      %dma_wait3A_338 = arith.constant 0 : i32
      %dma_wait3A_339 = tpu.memref_slice %arg2[%dma_wait3A_337, %add3A_336, %dma_wait3A_338] : memref<4x8192x1024xf32, #tpu.memory_space<hbm>> -> memref<1x8x1024xf32, #tpu.memory_space<hbm>>
      %dma_wait3A_340 = tpu.memref_squeeze %dma_wait3A_339 : memref<1x8x1024xf32, #tpu.memory_space<hbm>> -> memref<8x1024xf32, #tpu.memory_space<hbm>>
      %dma_wait3A_341 = arith.constant 0 : i32
      %dma_wait3A_342 = tpu.memref_slice %arg2[%dma_wait3A_337, %add3A_336, %dma_wait3A_341] : memref<4x8192x1024xf32, #tpu.memory_space<hbm>> -> memref<1x8x1024xf32, #tpu.memory_space<hbm>>
      %dma_wait3A_343 = tpu.memref_squeeze %dma_wait3A_342 : memref<1x8x1024xf32, #tpu.memory_space<hbm>> -> memref<8x1024xf32, #tpu.memory_space<hbm>>
      tpu.wait_dma2 semaphore(%arg21 : memref<!tpu.dma_semaphore, #tpu.memory_space<semaphore_mem>>) src(%dma_wait3A_343 : memref<8x1024xf32, #tpu.memory_space<hbm>>) dst(%arg11 : memref<8x1024xf32, #tpu.memory_space<vmem>>)
      %parallel_loop3A_344 = arith.constant 0 : i32
      %parallel_loop3A_345 = arith.constant 512 : i32
      %parallel_loop3A_346 = arith.constant 1 : i32
      scf.for %parallel_loop3A_405 = %parallel_loop3A_344 to %parallel_loop3A_345 step %parallel_loop3A_346  : i32 {
        %parallel_loop3A_406 = arith.constant 64 : i32
        %parallel_loop3A_407 = arith.divsi %parallel_loop3A_405, %parallel_loop3A_406 : i32
        %parallel_loop3A_408 = arith.constant 0 : i32
        %parallel_loop3A_409 = arith.cmpi sgt, %parallel_loop3A_405, %parallel_loop3A_408 : i32
        %parallel_loop3A_410 = arith.extui %parallel_loop3A_409 : i1 to i32
        %parallel_loop3A_411 = arith.constant 0 : i32
        %parallel_loop3A_412 = arith.cmpi slt, %parallel_loop3A_405, %parallel_loop3A_411 : i32
        %parallel_loop3A_413 = arith.extui %parallel_loop3A_412 : i1 to i32
        %parallel_loop3A_414 = arith.subi %parallel_loop3A_410, %parallel_loop3A_413 : i32
        %parallel_loop3A_415 = arith.constant 0 : i32
        %parallel_loop3A_416 = arith.cmpi sgt, %parallel_loop3A_406, %parallel_loop3A_415 : i32
        %parallel_loop3A_417 = arith.extui %parallel_loop3A_416 : i1 to i32
        %parallel_loop3A_418 = arith.constant 0 : i32
        %parallel_loop3A_419 = arith.cmpi slt, %parallel_loop3A_406, %parallel_loop3A_418 : i32
        %parallel_loop3A_420 = arith.extui %parallel_loop3A_419 : i1 to i32
        %parallel_loop3A_421 = arith.subi %parallel_loop3A_417, %parallel_loop3A_420 : i32
        %parallel_loop3A_422 = arith.cmpi ne, %parallel_loop3A_414, %parallel_loop3A_421 : i32
        %parallel_loop3A_423 = arith.remsi %parallel_loop3A_405, %parallel_loop3A_406 : i32
        %parallel_loop3A_424 = arith.constant 0 : i32
        %parallel_loop3A_425 = arith.cmpi ne, %parallel_loop3A_423, %parallel_loop3A_424 : i32
        %parallel_loop3A_426 = arith.andi %parallel_loop3A_422, %parallel_loop3A_425 : i1
        %parallel_loop3A_427 = arith.constant 1 : i32
        %parallel_loop3A_428 = arith.subi %parallel_loop3A_407, %parallel_loop3A_427 : i32
        %parallel_loop3A_429 = arith.select %parallel_loop3A_426, %parallel_loop3A_428, %parallel_loop3A_407 : i32
        %parallel_loop3A_430 = arith.constant 64 : i32
        %parallel_loop3A_431 = arith.constant 0 : i32
        %parallel_loop3A_432 = arith.cmpi eq, %parallel_loop3A_430, %parallel_loop3A_431 : i32
        %parallel_loop3A_433 = arith.constant 1 : i32
        %parallel_loop3A_434 = arith.select %parallel_loop3A_432, %parallel_loop3A_433, %parallel_loop3A_430 : i32
        %parallel_loop3A_435 = arith.remsi %parallel_loop3A_405, %parallel_loop3A_434 : i32
        %parallel_loop3A_436 = arith.constant 0 : i32
        %parallel_loop3A_437 = arith.cmpi ne, %parallel_loop3A_435, %parallel_loop3A_436 : i32
        %parallel_loop3A_438 = arith.constant 0 : i32
        %parallel_loop3A_439 = arith.cmpi slt, %parallel_loop3A_435, %parallel_loop3A_438 : i32
        %parallel_loop3A_440 = arith.constant 0 : i32
        %parallel_loop3A_441 = arith.cmpi slt, %parallel_loop3A_434, %parallel_loop3A_440 : i32
        %parallel_loop3A_442 = arith.xori %parallel_loop3A_439, %parallel_loop3A_441 : i1
        %parallel_loop3A_443 = arith.andi %parallel_loop3A_442, %parallel_loop3A_437 : i1
        %parallel_loop3A_444 = arith.addi %parallel_loop3A_435, %parallel_loop3A_434 : i32
        %parallel_loop3A_445 = arith.select %parallel_loop3A_443, %parallel_loop3A_444, %parallel_loop3A_435 : i32
        %parallel_loop3A_446 = arith.constant 16 : i32
        %parallel_loop3A_447 = arith.muli %parallel_loop3A_445, %parallel_loop3A_446 : i32
        %parallel_loop3A_448 = arith.index_cast %parallel_loop3A_429 : i32 to index
        %parallel_loop3A_449 = arith.index_cast %parallel_loop3A_447 : i32 to index
        %parallel_loop3A_450 = tpu.vector_load %arg14[%parallel_loop3A_448, %parallel_loop3A_449] {strides = array<i32>} : memref<8x1024xf32, #tpu.memory_space<vmem>>, vector<1x16xf32>,
        %parallel_loop3A_451 = vector.shape_cast %parallel_loop3A_450 : vector<1x16xf32> to vector<16xf32>
        %parallel_loop3A_452 = arith.index_cast %parallel_loop3A_429 : i32 to index
        %parallel_loop3A_453 = arith.index_cast %parallel_loop3A_447 : i32 to index
        %parallel_loop3A_454 = tpu.vector_load %arg11[%parallel_loop3A_452, %parallel_loop3A_453] {strides = array<i32>} : memref<8x1024xf32, #tpu.memory_space<vmem>>, vector<1x16xf32>,
        %parallel_loop3A_455 = vector.shape_cast %parallel_loop3A_454 : vector<1x16xf32> to vector<16xf32>
        %parallel_loop3A_456 = vector.shape_cast %parallel_loop3A_451 : vector<16xf32> to vector<1x16xf32>
        tpu.vector_store %arg11[%parallel_loop3A_452, %parallel_loop3A_453], %parallel_loop3A_456 {add = true, strides = array<i32>} : memref<8x1024xf32, #tpu.memory_space<vmem>>, vector<1x16xf32>,
      } {sc.loop_unroll_factor = 8 : i64, sc.parallel_access}
      %mul3A_347 = arith.constant 8 : i32
      %mul3A_348 = arith.muli %add3A_135, %mul3A_347 : i32
      %add3A_349 = arith.addi %mul3A_2, %mul3A_348 : i32
      %dma_wait3A_350 = arith.constant 3 : i32
      %dma_wait3A_351 = arith.constant 0 : i32
      %dma_wait3A_352 = tpu.memref_slice %arg2[%dma_wait3A_350, %add3A_349, %dma_wait3A_351] : memref<4x8192x1024xf32, #tpu.memory_space<hbm>> -> memref<1x8x1024xf32, #tpu.memory_space<hbm>>
      %dma_wait3A_353 = tpu.memref_squeeze %dma_wait3A_352 : memref<1x8x1024xf32, #tpu.memory_space<hbm>> -> memref<8x1024xf32, #tpu.memory_space<hbm>>
      %dma_wait3A_354 = arith.constant 0 : i32
      %dma_wait3A_355 = tpu.memref_slice %arg2[%dma_wait3A_350, %add3A_349, %dma_wait3A_354] : memref<4x8192x1024xf32, #tpu.memory_space<hbm>> -> memref<1x8x1024xf32, #tpu.memory_space<hbm>>
      %dma_wait3A_356 = tpu.memref_squeeze %dma_wait3A_355 : memref<1x8x1024xf32, #tpu.memory_space<hbm>> -> memref<8x1024xf32, #tpu.memory_space<hbm>>
      tpu.wait_dma2 semaphore(%arg22 : memref<!tpu.dma_semaphore, #tpu.memory_space<semaphore_mem>>) src(%dma_wait3A_356 : memref<8x1024xf32, #tpu.memory_space<hbm>>) dst(%arg12 : memref<8x1024xf32, #tpu.memory_space<vmem>>)
      %parallel_loop3A_357 = arith.constant 0 : i32
      %parallel_loop3A_358 = arith.constant 512 : i32
      %parallel_loop3A_359 = arith.constant 1 : i32
      scf.for %parallel_loop3A_405 = %parallel_loop3A_357 to %parallel_loop3A_358 step %parallel_loop3A_359  : i32 {
        %parallel_loop3A_406 = arith.constant 64 : i32
        %parallel_loop3A_407 = arith.divsi %parallel_loop3A_405, %parallel_loop3A_406 : i32
        %parallel_loop3A_408 = arith.constant 0 : i32
        %parallel_loop3A_409 = arith.cmpi sgt, %parallel_loop3A_405, %parallel_loop3A_408 : i32
        %parallel_loop3A_410 = arith.extui %parallel_loop3A_409 : i1 to i32
        %parallel_loop3A_411 = arith.constant 0 : i32
        %parallel_loop3A_412 = arith.cmpi slt, %parallel_loop3A_405, %parallel_loop3A_411 : i32
        %parallel_loop3A_413 = arith.extui %parallel_loop3A_412 : i1 to i32
        %parallel_loop3A_414 = arith.subi %parallel_loop3A_410, %parallel_loop3A_413 : i32
        %parallel_loop3A_415 = arith.constant 0 : i32
        %parallel_loop3A_416 = arith.cmpi sgt, %parallel_loop3A_406, %parallel_loop3A_415 : i32
        %parallel_loop3A_417 = arith.extui %parallel_loop3A_416 : i1 to i32
        %parallel_loop3A_418 = arith.constant 0 : i32
        %parallel_loop3A_419 = arith.cmpi slt, %parallel_loop3A_406, %parallel_loop3A_418 : i32
        %parallel_loop3A_420 = arith.extui %parallel_loop3A_419 : i1 to i32
        %parallel_loop3A_421 = arith.subi %parallel_loop3A_417, %parallel_loop3A_420 : i32
        %parallel_loop3A_422 = arith.cmpi ne, %parallel_loop3A_414, %parallel_loop3A_421 : i32
        %parallel_loop3A_423 = arith.remsi %parallel_loop3A_405, %parallel_loop3A_406 : i32
        %parallel_loop3A_424 = arith.constant 0 : i32
        %parallel_loop3A_425 = arith.cmpi ne, %parallel_loop3A_423, %parallel_loop3A_424 : i32
        %parallel_loop3A_426 = arith.andi %parallel_loop3A_422, %parallel_loop3A_425 : i1
        %parallel_loop3A_427 = arith.constant 1 : i32
        %parallel_loop3A_428 = arith.subi %parallel_loop3A_407, %parallel_loop3A_427 : i32
        %parallel_loop3A_429 = arith.select %parallel_loop3A_426, %parallel_loop3A_428, %parallel_loop3A_407 : i32
        %parallel_loop3A_430 = arith.constant 64 : i32
        %parallel_loop3A_431 = arith.constant 0 : i32
        %parallel_loop3A_432 = arith.cmpi eq, %parallel_loop3A_430, %parallel_loop3A_431 : i32
        %parallel_loop3A_433 = arith.constant 1 : i32
        %parallel_loop3A_434 = arith.select %parallel_loop3A_432, %parallel_loop3A_433, %parallel_loop3A_430 : i32
        %parallel_loop3A_435 = arith.remsi %parallel_loop3A_405, %parallel_loop3A_434 : i32
        %parallel_loop3A_436 = arith.constant 0 : i32
        %parallel_loop3A_437 = arith.cmpi ne, %parallel_loop3A_435, %parallel_loop3A_436 : i32
        %parallel_loop3A_438 = arith.constant 0 : i32
        %parallel_loop3A_439 = arith.cmpi slt, %parallel_loop3A_435, %parallel_loop3A_438 : i32
        %parallel_loop3A_440 = arith.constant 0 : i32
        %parallel_loop3A_441 = arith.cmpi slt, %parallel_loop3A_434, %parallel_loop3A_440 : i32
        %parallel_loop3A_442 = arith.xori %parallel_loop3A_439, %parallel_loop3A_441 : i1
        %parallel_loop3A_443 = arith.andi %parallel_loop3A_442, %parallel_loop3A_437 : i1
        %parallel_loop3A_444 = arith.addi %parallel_loop3A_435, %parallel_loop3A_434 : i32
        %parallel_loop3A_445 = arith.select %parallel_loop3A_443, %parallel_loop3A_444, %parallel_loop3A_435 : i32
        %parallel_loop3A_446 = arith.constant 16 : i32
        %parallel_loop3A_447 = arith.muli %parallel_loop3A_445, %parallel_loop3A_446 : i32
        %parallel_loop3A_448 = arith.index_cast %parallel_loop3A_429 : i32 to index
        %parallel_loop3A_449 = arith.index_cast %parallel_loop3A_447 : i32 to index
        %parallel_loop3A_450 = tpu.vector_load %arg14[%parallel_loop3A_448, %parallel_loop3A_449] {strides = array<i32>} : memref<8x1024xf32, #tpu.memory_space<vmem>>, vector<1x16xf32>,
        %parallel_loop3A_451 = vector.shape_cast %parallel_loop3A_450 : vector<1x16xf32> to vector<16xf32>
        %parallel_loop3A_452 = arith.index_cast %parallel_loop3A_429 : i32 to index
        %parallel_loop3A_453 = arith.index_cast %parallel_loop3A_447 : i32 to index
        %parallel_loop3A_454 = tpu.vector_load %arg12[%parallel_loop3A_452, %parallel_loop3A_453] {strides = array<i32>} : memref<8x1024xf32, #tpu.memory_space<vmem>>, vector<1x16xf32>,
        %parallel_loop3A_455 = vector.shape_cast %parallel_loop3A_454 : vector<1x16xf32> to vector<16xf32>
        %parallel_loop3A_456 = vector.shape_cast %parallel_loop3A_451 : vector<16xf32> to vector<1x16xf32>
        tpu.vector_store %arg12[%parallel_loop3A_452, %parallel_loop3A_453], %parallel_loop3A_456 {add = true, strides = array<i32>} : memref<8x1024xf32, #tpu.memory_space<vmem>>, vector<1x16xf32>,
      } {sc.loop_unroll_factor = 8 : i64, sc.parallel_access}
      %mul3A_360 = arith.constant 8 : i32
      %mul3A_361 = arith.muli %add3A_135, %mul3A_360 : i32
      %add3A_362 = arith.addi %mul3A_2, %mul3A_361 : i32
      %dma_start3A_363 = arith.constant 0 : i32
      %dma_start3A_364 = arith.constant 0 : i32
      %dma_start3A_365 = tpu.memref_slice %arg4[%dma_start3A_363, %add3A_362, %dma_start3A_364] : memref<4x8192x1024xf32, #tpu.memory_space<hbm>> -> memref<1x8x1024xf32, #tpu.memory_space<hbm>>
      %dma_start3A_366 = tpu.memref_squeeze %dma_start3A_365 : memref<1x8x1024xf32, #tpu.memory_space<hbm>> -> memref<8x1024xf32, #tpu.memory_space<hbm>>
      %dma_start3A_367 = arith.constant 0 : i32
      %dma_start3A_368 = tpu.memref_slice %arg4[%dma_start3A_363, %add3A_362, %dma_start3A_367] : memref<4x8192x1024xf32, #tpu.memory_space<hbm>> -> memref<1x8x1024xf32, #tpu.memory_space<hbm>>
      %dma_start3A_369 = tpu.memref_squeeze %dma_start3A_368 : memref<1x8x1024xf32, #tpu.memory_space<hbm>> -> memref<8x1024xf32, #tpu.memory_space<hbm>>
      tpu.enqueue_dma source(%arg9 : memref<8x1024xf32, #tpu.memory_space<vmem>>) target(%dma_start3A_369 : memref<8x1024xf32, #tpu.memory_space<hbm>>) target_semaphore(%arg27 : memref<!tpu.dma_semaphore, #tpu.memory_space<semaphore_mem>>)
      %mul3A_370 = arith.constant 8 : i32
      %mul3A_371 = arith.muli %add3A_135, %mul3A_370 : i32
      %add3A_372 = arith.addi %mul3A_2, %mul3A_371 : i32
      %dma_start3A_373 = arith.constant 1 : i32
      %dma_start3A_374 = arith.constant 0 : i32
      %dma_start3A_375 = tpu.memref_slice %arg4[%dma_start3A_373, %add3A_372, %dma_start3A_374] : memref<4x8192x1024xf32, #tpu.memory_space<hbm>> -> memref<1x8x1024xf32, #tpu.memory_space<hbm>>
      %dma_start3A_376 = tpu.memref_squeeze %dma_start3A_375 : memref<1x8x1024xf32, #tpu.memory_space<hbm>> -> memref<8x1024xf32, #tpu.memory_space<hbm>>
      %dma_start3A_377 = arith.constant 0 : i32
      %dma_start3A_378 = tpu.memref_slice %arg4[%dma_start3A_373, %add3A_372, %dma_start3A_377] : memref<4x8192x1024xf32, #tpu.memory_space<hbm>> -> memref<1x8x1024xf32, #tpu.memory_space<hbm>>
      %dma_start3A_379 = tpu.memref_squeeze %dma_start3A_378 : memref<1x8x1024xf32, #tpu.memory_space<hbm>> -> memref<8x1024xf32, #tpu.memory_space<hbm>>
      tpu.enqueue_dma source(%arg10 : memref<8x1024xf32, #tpu.memory_space<vmem>>) target(%dma_start3A_379 : memref<8x1024xf32, #tpu.memory_space<hbm>>) target_semaphore(%arg28 : memref<!tpu.dma_semaphore, #tpu.memory_space<semaphore_mem>>)
      %mul3A_380 = arith.constant 8 : i32
      %mul3A_381 = arith.muli %add3A_135, %mul3A_380 : i32
      %add3A_382 = arith.addi %mul3A_2, %mul3A_381 : i32
      %dma_start3A_383 = arith.constant 2 : i32
      %dma_start3A_384 = arith.constant 0 : i32
      %dma_start3A_385 = tpu.memref_slice %arg4[%dma_start3A_383, %add3A_382, %dma_start3A_384] : memref<4x8192x1024xf32, #tpu.memory_space<hbm>> -> memref<1x8x1024xf32, #tpu.memory_space<hbm>>
      %dma_start3A_386 = tpu.memref_squeeze %dma_start3A_385 : memref<1x8x1024xf32, #tpu.memory_space<hbm>> -> memref<8x1024xf32, #tpu.memory_space<hbm>>
      %dma_start3A_387 = arith.constant 0 : i32
      %dma_start3A_388 = tpu.memref_slice %arg4[%dma_start3A_383, %add3A_382, %dma_start3A_387] : memref<4x8192x1024xf32, #tpu.memory_space<hbm>> -> memref<1x8x1024xf32, #tpu.memory_space<hbm>>
      %dma_start3A_389 = tpu.memref_squeeze %dma_start3A_388 : memref<1x8x1024xf32, #tpu.memory_space<hbm>> -> memref<8x1024xf32, #tpu.memory_space<hbm>>
      tpu.enqueue_dma source(%arg11 : memref<8x1024xf32, #tpu.memory_space<vmem>>) target(%dma_start3A_389 : memref<8x1024xf32, #tpu.memory_space<hbm>>) target_semaphore(%arg29 : memref<!tpu.dma_semaphore, #tpu.memory_space<semaphore_mem>>)
      %mul3A_390 = arith.constant 8 : i32
      %mul3A_391 = arith.muli %add3A_135, %mul3A_390 : i32
      %add3A_392 = arith.addi %mul3A_2, %mul3A_391 : i32
      %dma_start3A_393 = arith.constant 3 : i32
      %dma_start3A_394 = arith.constant 0 : i32
      %dma_start3A_395 = tpu.memref_slice %arg4[%dma_start3A_393, %add3A_392, %dma_start3A_394] : memref<4x8192x1024xf32, #tpu.memory_space<hbm>> -> memref<1x8x1024xf32, #tpu.memory_space<hbm>>
      %dma_start3A_396 = tpu.memref_squeeze %dma_start3A_395 : memref<1x8x1024xf32, #tpu.memory_space<hbm>> -> memref<8x1024xf32, #tpu.memory_space<hbm>>
      %dma_start3A_397 = arith.constant 0 : i32
      %dma_start3A_398 = tpu.memref_slice %arg4[%dma_start3A_393, %add3A_392, %dma_start3A_397] : memref<4x8192x1024xf32, #tpu.memory_space<hbm>> -> memref<1x8x1024xf32, #tpu.memory_space<hbm>>
      %dma_start3A_399 = tpu.memref_squeeze %dma_start3A_398 : memref<1x8x1024xf32, #tpu.memory_space<hbm>> -> memref<8x1024xf32, #tpu.memory_space<hbm>>
      tpu.enqueue_dma source(%arg12 : memref<8x1024xf32, #tpu.memory_space<vmem>>) target(%dma_start3A_399 : memref<8x1024xf32, #tpu.memory_space<hbm>>) target_semaphore(%arg30 : memref<!tpu.dma_semaphore, #tpu.memory_space<semaphore_mem>>)
      %not3A_400 = arith.constant true
      %not3A_401 = arith.xori %eq3A_136, %not3A_400 : i1
      %convert_element_type3A_402 = arith.extui %not3A_401 : i1 to i32
      %cond3A_403 = arith.constant 0 : i32
      %cond3A_404 = arith.cmpi ne, %convert_element_type3A_402, %cond3A_403 : i32
      scf.if %cond3A_404 {
        %add3A_405 = arith.constant 2 : i32
        %add3A_406 = arith.addi %add3A_135, %add3A_405 : i32
        %mul3A_407 = arith.constant 8 : i32
        %mul3A_408 = arith.muli %add3A_406, %mul3A_407 : i32
        %add3A_409 = arith.addi %mul3A_2, %mul3A_408 : i32
        %dma_start3A_410 = arith.constant 0 : i32
        %dma_start3A_411 = tpu.memref_slice %arg3[%add3A_409, %dma_start3A_410] : memref<8192x1024xf32, #tpu.memory_space<hbm>> -> memref<8x1024xf32, #tpu.memory_space<hbm>>
        %dma_start3A_412 = arith.constant 0 : i32
        %dma_start3A_413 = tpu.memref_slice %arg3[%add3A_409, %dma_start3A_412] : memref<8192x1024xf32, #tpu.memory_space<hbm>> -> memref<8x1024xf32, #tpu.memory_space<hbm>>
        tpu.enqueue_dma source(%dma_start3A_413 : memref<8x1024xf32, #tpu.memory_space<hbm>>) target(%arg14 : memref<8x1024xf32, #tpu.memory_space<vmem>>) target_semaphore(%arg32 : memref<!tpu.dma_semaphore, #tpu.memory_space<semaphore_mem>>)
      } else {
      }
    }
    %scan3A_89 = arith.constant 16 : i32
    %add3A_90 = arith.constant 248 : i32
    %add3A_91 = arith.addi %mul3A_2, %add3A_90 : i32
    %dma_wait3A = arith.constant 0 : i32
    %dma_wait3A_92 = arith.constant 0 : i32
    %dma_wait3A_93 = tpu.memref_slice %arg4[%dma_wait3A, %add3A_91, %dma_wait3A_92] : memref<4x8192x1024xf32, #tpu.memory_space<hbm>> -> memref<1x8x1024xf32, #tpu.memory_space<hbm>>
    %dma_wait3A_94 = tpu.memref_squeeze %dma_wait3A_93 : memref<1x8x1024xf32, #tpu.memory_space<hbm>> -> memref<8x1024xf32, #tpu.memory_space<hbm>>
    %dma_wait3A_95 = arith.constant 0 : i32
    %dma_wait3A_96 = tpu.memref_slice %arg4[%dma_wait3A, %add3A_91, %dma_wait3A_95] : memref<4x8192x1024xf32, #tpu.memory_space<hbm>> -> memref<1x8x1024xf32, #tpu.memory_space<hbm>>
    %dma_wait3A_97 = tpu.memref_squeeze %dma_wait3A_96 : memref<1x8x1024xf32, #tpu.memory_space<hbm>> -> memref<8x1024xf32, #tpu.memory_space<hbm>>
    tpu.wait_dma2 semaphore(%arg27 : memref<!tpu.dma_semaphore, #tpu.memory_space<semaphore_mem>>) src(%arg9 : memref<8x1024xf32, #tpu.memory_space<vmem>>) dst(%dma_wait3A_97 : memref<8x1024xf32, #tpu.memory_space<hbm>>)
    %add3A_98 = arith.constant 248 : i32
    %add3A_99 = arith.addi %mul3A_2, %add3A_98 : i32
    %dma_wait3A_100 = arith.constant 1 : i32
    %dma_wait3A_101 = arith.constant 0 : i32
    %dma_wait3A_102 = tpu.memref_slice %arg4[%dma_wait3A_100, %add3A_99, %dma_wait3A_101] : memref<4x8192x1024xf32, #tpu.memory_space<hbm>> -> memref<1x8x1024xf32, #tpu.memory_space<hbm>>
    %dma_wait3A_103 = tpu.memref_squeeze %dma_wait3A_102 : memref<1x8x1024xf32, #tpu.memory_space<hbm>> -> memref<8x1024xf32, #tpu.memory_space<hbm>>
    %dma_wait3A_104 = arith.constant 0 : i32
    %dma_wait3A_105 = tpu.memref_slice %arg4[%dma_wait3A_100, %add3A_99, %dma_wait3A_104] : memref<4x8192x1024xf32, #tpu.memory_space<hbm>> -> memref<1x8x1024xf32, #tpu.memory_space<hbm>>
    %dma_wait3A_106 = tpu.memref_squeeze %dma_wait3A_105 : memref<1x8x1024xf32, #tpu.memory_space<hbm>> -> memref<8x1024xf32, #tpu.memory_space<hbm>>
    tpu.wait_dma2 semaphore(%arg28 : memref<!tpu.dma_semaphore, #tpu.memory_space<semaphore_mem>>) src(%arg10 : memref<8x1024xf32, #tpu.memory_space<vmem>>) dst(%dma_wait3A_106 : memref<8x1024xf32, #tpu.memory_space<hbm>>)
    %add3A_107 = arith.constant 248 : i32
    %add3A_108 = arith.addi %mul3A_2, %add3A_107 : i32
    %dma_wait3A_109 = arith.constant 2 : i32
    %dma_wait3A_110 = arith.constant 0 : i32
    %dma_wait3A_111 = tpu.memref_slice %arg4[%dma_wait3A_109, %add3A_108, %dma_wait3A_110] : memref<4x8192x1024xf32, #tpu.memory_space<hbm>> -> memref<1x8x1024xf32, #tpu.memory_space<hbm>>
    %dma_wait3A_112 = tpu.memref_squeeze %dma_wait3A_111 : memref<1x8x1024xf32, #tpu.memory_space<hbm>> -> memref<8x1024xf32, #tpu.memory_space<hbm>>
    %dma_wait3A_113 = arith.constant 0 : i32
    %dma_wait3A_114 = tpu.memref_slice %arg4[%dma_wait3A_109, %add3A_108, %dma_wait3A_113] : memref<4x8192x1024xf32, #tpu.memory_space<hbm>> -> memref<1x8x1024xf32, #tpu.memory_space<hbm>>
    %dma_wait3A_115 = tpu.memref_squeeze %dma_wait3A_114 : memref<1x8x1024xf32, #tpu.memory_space<hbm>> -> memref<8x1024xf32, #tpu.memory_space<hbm>>
    tpu.wait_dma2 semaphore(%arg29 : memref<!tpu.dma_semaphore, #tpu.memory_space<semaphore_mem>>) src(%arg11 : memref<8x1024xf32, #tpu.memory_space<vmem>>) dst(%dma_wait3A_115 : memref<8x1024xf32, #tpu.memory_space<hbm>>)
    %add3A_116 = arith.constant 248 : i32
    %add3A_117 = arith.addi %mul3A_2, %add3A_116 : i32
    %dma_wait3A_118 = arith.constant 3 : i32
    %dma_wait3A_119 = arith.constant 0 : i32
    %dma_wait3A_120 = tpu.memref_slice %arg4[%dma_wait3A_118, %add3A_117, %dma_wait3A_119] : memref<4x8192x1024xf32, #tpu.memory_space<hbm>> -> memref<1x8x1024xf32, #tpu.memory_space<hbm>>
    %dma_wait3A_121 = tpu.memref_squeeze %dma_wait3A_120 : memref<1x8x1024xf32, #tpu.memory_space<hbm>> -> memref<8x1024xf32, #tpu.memory_space<hbm>>
    %dma_wait3A_122 = arith.constant 0 : i32
    %dma_wait3A_123 = tpu.memref_slice %arg4[%dma_wait3A_118, %add3A_117, %dma_wait3A_122] : memref<4x8192x1024xf32, #tpu.memory_space<hbm>> -> memref<1x8x1024xf32, #tpu.memory_space<hbm>>
    %dma_wait3A_124 = tpu.memref_squeeze %dma_wait3A_123 : memref<1x8x1024xf32, #tpu.memory_space<hbm>> -> memref<8x1024xf32, #tpu.memory_space<hbm>>
    tpu.wait_dma2 semaphore(%arg30 : memref<!tpu.dma_semaphore, #tpu.memory_space<semaphore_mem>>) src(%arg12 : memref<8x1024xf32, #tpu.memory_space<vmem>>) dst(%dma_wait3A_124 : memref<8x1024xf32, #tpu.memory_space<hbm>>)
    return
  }
}

</mosaic_0001>

<sc_bundles>
// kernel: kernel.3.cloned.1.call-start
scs
__scs_entry_jumppad:
0x0: {  	(pc) =	sbr.rel $0x88, $3  }
0x1: {  	(tag) =	ssettag $0x0;
	lr =	simm.s32 $0x1  }
0x2: {  	[smem:$0x3F9F] =	sst lr;
	_ =	strace $0xD0000000  }
0x3: {  	_ = 	snop  }
0x4: {  	_ = 	snop  }
0x5: {  	_ = 	snop  }
0x6: {  	_ = 	snop  }
0x7: {  	_ = 	snop  }
__scs_overlays_trampoline_lowered:
0x8: {  	[smem:$0x3FAE] =	sst s0  }
0x9: {  	[smem:$0x3FAF] =	sst s1  }
0xa: {  	[smem:$0x3FB0] =	sst s2  }
0xb: {  	[smem:$0x3FB1] =	sst s3  }
0xc: {  	[smem:$0x3FB2] =	sst s4  }
0xd: {  	[smem:$0x3FB3] =	sst s5  }
0xe: {  	[smem:$0x3FB4] =	sst s6  }
0xf: {  	[smem:$0x3FB5] =	sst s7  }
0x10: {  	[smem:$0x3FB6] =	sst s8  }
0x11: {  	[smem:$0x3FB7] =	sst s9;
	s0 =	simm.s32 @!p0 $0x0  }
0x12: {  	s1 =	sld [smem:$0x3F9D];
	s0 =	simm.s32 @p0 $0x1  }
0x13: {  	[smem:$0x3FB8] =	sst s0;
	s0 =	simm.s32 @!p1 $0x0  }
0x14: {  	s2 =	sld [smem:$0x3F9C];
	s0 =	simm.s32 @p1 $0x1  }
0x15: {  	[smem:$0x3FB9] =	sst s0;
	s0 =	simm.s32 @!p2 $0x0  }
0x16: {  	s3 =	sld [smem:$0x3FDB];
	s0 =	simm.s32 @p2 $0x1  }
0x17: {  	s4 =	simm.s32 $0x1BF5;
	[smem:$0x3FBB] =	sst s0  }
0x18: {  	s0 =	sld [smem:$0x3F9E];
	_ =	swait.ge [sflag:s4], $0x0  }
0x19: {  	s7 =	sld [smem:$0x3F9F]  }
0x1a: {  	s8 =	sadd.s32 $0xFFFFE003, lr  }
0x1b: {  	s9 =	sadd.s32 $0xFFFFFEF7, lr;
	s5 =	simm.s32 $0xFFFFFFFF;
	p2 =	slt.u32 s8, $0xFFFFF086  }
0x1c: {  	p1 =	slt.u32 s9, $0xF7A;
	s5 =	simm.s32 @!p2 $0x0  }
0x1d: {  	s5 =	simm.s32 @p1 $0x1;
	p0 =	seq.s32 s7, s2  }
0x1e: {  	s7 =	smul.u32 @!p0 $0xF7A, s2;
	p2 =	seq.s32 @!p0 s5, $0x0  }
0x1f: {  	s9 =	smul.u32 $0xF7A, s1;
	s8 =	simm.s32 @!p0 $0x1BF5;
	p2 =	por !p2, p0  }
0x20: {  	[sflag:s8] =	ssyncset.s32 @!p0 $0xFFFFF086;
	s6 =	sadd.s32 @!p0 s3, s7;
	s7 =	simm.s32 @!p0 $0x108  }
0x21: {  	s3 =	sadd.s32 s3, s9;
	s6 =	sadd.s32 @!p0 $0x88, s6;
	s7 =	simm.s32 @p2 $0x1082  }
0x22: {  	[simem:s7], [sflag:s8] =	dma.local @!p0 [hbm:s6], $0xF7A  }
0x23: {  	s9 =	sor.u32 $0xD0000000, s2;
	s6 =	simm.s32 $0x108;
	_ =	swait.ge @!p0 [sflag:s8], $0x0  }
0x24: {  	s3 =	sadd.s32 $0x88, s3;
	s6 =	simm.s32 @!p1 $0x1082;
	[sflag:s4] =	ssyncset.s32 $0xFFFFF086  }
0x25: {  	[simem:s6], [sflag:s4] =	dma.local [hbm:s3], $0xF7A  }
0x26: {  	[smem:$0x3F9F] =	sst s1;
	(tag) =	ssettag s2;
	_ =	strace s9  }
0x27: {  	s1 =	sld [smem:$0x3FAF]  }
0x28: {  	s2 =	sld [smem:$0x3FB0]  }
0x29: {  	s4 =	sld [smem:$0x3FB2]  }
0x2a: {  	p0 =	seq.s32 s5, $0x0;
	s5 =	sld [smem:$0x3FB3]  }
0x2b: {  	s6 =	sld [smem:$0x3FB4]  }
0x2c: {  	s7 =	sld [smem:$0x3FB5]  }
0x2d: {  	s3 =	simm.s32 $0x108;
	s8 =	sld [smem:$0x3FB6]  }
0x2e: {  	s3 =	simm.s32 @!p0 $0x1082;
	s9 =	sld [smem:$0x3FB7]  }
0x2f: {  	lr =	sadd.s32 s0, s3;
	s0 =	sld [smem:$0x3FAE]  }
0x30: {  	s3 =	sld [smem:$0x3FB1]  }
0x31: {  	[smem:$0x3FBA] =	sst s10  }
0x32: {  	s10 =	sld [smem:$0x3FB8];
	_ =	sdelay $0x3  }
0x33: {  	p0 =	seq.s32 s10, $0x1;
	s10 =	sld [smem:$0x3FBA];
	_ =	sdelay $0x3  }
0x34: {  	[smem:$0x3FBA] =	sst s10  }
0x35: {  	s10 =	sld [smem:$0x3FB9];
	_ =	sdelay $0x3  }
0x36: {  	p1 =	seq.s32 s10, $0x1;
	s10 =	sld [smem:$0x3FBA];
	_ =	sdelay $0x3  }
0x37: {  	[smem:$0x3FBA] =	sst s10  }
0x38: {  	s10 =	sld [smem:$0x3FBB]  }
0x39: {  	_ = 	snop;
	(pc) =	sbr.ind lr, $3  }
0x3a: {  	_ = 	snop  }
0x3b: {  	_ = 	snop  }
0x3c: {  	p2 =	seq.s32 s10, $0x1;
	s10 =	sld [smem:$0x3FBA]  }
0x3d: {  	_ =	shalt  }
0x3e: {  	_ =	shalt  }
0x3f: {  	_ =	shalt  }
0x40: {  	_ =	shalt  }
0x41: {  	_ =	shalt  }
0x42: {  	_ =	shalt  }
0x43: {  	_ =	shalt  }
0x44: {  	_ =	shalt  }
0x45: {  	_ =	shalt  }
0x46: {  	_ =	shalt  }
0x47: {  	_ =	shalt  }
0x48: {  	_ =	shalt  }
0x49: {  	_ =	shalt  }
0x4a: {  	_ =	shalt  }
0x4b: {  	_ =	shalt  }
0x4c: {  	_ =	shalt  }
0x4d: {  	_ =	shalt  }
0x4e: {  	_ =	shalt  }
0x4f: {  	_ =	shalt  }
0x50: {  	_ =	shalt  }
0x51: {  	_ =	shalt  }
0x52: {  	_ =	shalt  }
0x53: {  	_ =	shalt  }
0x54: {  	_ =	shalt  }
0x55: {  	_ =	shalt  }
0x56: {  	_ =	shalt  }
0x57: {  	_ =	shalt  }
0x58: {  	_ =	shalt  }
0x59: {  	_ =	shalt  }
0x5a: {  	_ =	shalt  }
0x5b: {  	_ =	shalt  }
0x5c: {  	_ =	shalt  }
0x5d: {  	_ =	shalt  }
0x5e: {  	_ =	shalt  }
0x5f: {  	_ =	shalt  }
0x60: {  	_ =	shalt  }
0x61: {  	_ =	shalt  }
0x62: {  	_ =	shalt  }
0x63: {  	_ =	shalt  }
0x64: {  	_ =	shalt  }
0x65: {  	_ =	shalt  }
0x66: {  	_ =	shalt  }
0x67: {  	_ =	shalt  }
0x68: {  	_ =	shalt  }
0x69: {  	_ =	shalt  }
0x6a: {  	_ =	shalt  }
0x6b: {  	_ =	shalt  }
0x6c: {  	_ =	shalt  }
0x6d: {  	_ =	shalt  }
0x6e: {  	_ =	shalt  }
0x6f: {  	_ =	shalt  }
0x70: {  	_ =	shalt  }
0x71: {  	_ =	shalt  }
0x72: {  	_ =	shalt  }
0x73: {  	_ =	shalt  }
0x74: {  	_ =	shalt  }
0x75: {  	_ =	shalt  }
0x76: {  	_ =	shalt  }
0x77: {  	_ =	shalt  }
0x78: {  	_ =	shalt  }
0x79: {  	_ =	shalt  }
0x7a: {  	_ =	shalt  }
0x7b: {  	_ =	shalt  }
0x7c: {  	_ =	shalt  }
0x7d: {  	_ =	shalt  }
0x7e: {  	_ =	shalt  }
0x7f: {  	_ =	shalt  }
0x80: {  	_ =	shalt  }
0x81: {  	_ =	shalt  }
0x82: {  	_ =	shalt  }
0x83: {  	_ =	shalt  }
0x84: {  	_ =	shalt  }
0x85: {  	_ =	shalt  }
0x86: {  	_ =	shalt  }
0x87: {  	_ =	shalt  }
.Lfunc_end0:
.L_simem_size_0:
called_computation_lowered:
.L_overlay_start_0:
0x88: {  	s2 =	sld [smem:$0x3FD9]  }
0x89: {  	s3 =	sld [smem:$0x3FFE];
	_ =	sdelay $0x1  }
0x8a: {  	s1 =	srdreg.scid  }
0x8b: {  	s0 =	sand.u32 $0x1, s1  }
0x8c: {  	s18 =	sshll.u32 s0, $0xA;
	s2 =	sadd.s32 s3, s2  }
0x8d: {  	s2 =	sadd.s32 s2, s18  }
0x8e: {  	[smem:$0x3FC6] =	sst s2  }
0x8f: {  	_ = 	snop  }
0x90: {  	s2 =	sld [smem:$0x3FC9]  }
0x91: {  	s19 =	sld [smem:$0x3FC8]  }
0x92: {  	s4 =	sld [smem:$0x3FD0];
	(tm) =	ssettm $0x1  }
0x93: {  	s5 =	sld [smem:$0x3FFB];
	_ =	sdelay $0x3  }
0x94: {  	_ =	strace s5  }
0x95: {  	s5 =	sld [smem:$0x3FFC];
	_ =	sdelay $0x3  }
0x96: {  	_ =	strace s5  }
0x97: {  	s5 =	sld [smem:$0x3FFD];
	_ =	sdelay $0x3  }
0x98: {  	_ =	strace s5  }
0x99: {  	_ =	strace $0x8FFFFFFF  }
0x9a: {  	s20 =	sld [smem:$0x3FDB];
	_ =	sdelay $0x1  }
0x9b: {  	s6 =	simm.s32 $_scs_section_size  }
0x9c: {  	s7 =	simm.s32 $_size__tile_overlayer_lowered;
	s8 =	simm.s32 $_tile_overlayer_lowered  }
0x9d: {  	s23 =	simm.s32 $0x1BFF;
	s22 =	sshll.u32 s8, $0x1;
	s5 =	sadd.s32 s6, s20  }
0x9e: {  	s9 =	simm.s32 $0x0;
	s21 =	sshll.u32 s7, $0x1;
	s7 =	sadd.s32 s22, s5  }
0x9f: {  	[timem:s9], [sflag:s23] =	dma.local [hbm:s7], s21  }
0xa0: {  	_ =	swait.ge [sflag:s23], s21  }
0xa1: {  	s6 =	ssub.s32 $0x0, s21;
	[sflag:s23] =	ssyncset.done $0x0  }
0xa2: {  	[sflag:s23] =	ssyncadd.s32 s6;
	_ =	sdelay $0x1  }
0xa3: {  	s24 =	simm.s32 $0x1B8B  }
0xa4: {  	_ =	swait.ge [sflag:s24], $0x1  }
0xa5: {  	[sflag:s24] =	ssyncset.done $0x0  }
0xa6: {  	s25 =	simm.s32 $0x1B8E;
	[sflag:s24] =	ssyncadd.s32 $0xFFFFFFFF  }
0xa7: {  	s26 =	simm.s32 $execute0_lowered;
	[smem:$0x3FD2] =	sst s25  }
0xa8: {  	s6 =	sshll.u32 s26, $0x1;
	_ =	strace $0x80000046;
	[dreg:$0x1] =	wrdreg $0xFFFFFFFF  }
0xa9: {  	s28 =	simm.s32 $_size_execute0_lowered;
	s5 =	sadd.s32 s5, s6;
	[dreg:$0x0] =	wrdreg $0x0  }
0xaa: {  	s6 =	sshll.u32 s28, $0x1;
	[dreg:$0x2] =	wrdreg s5  }
0xab: {  	[dreg:$0x3] =	wrdreg s6  }
0xac: {  	[dreg:$0x4] =	wrdreg $0xC0  }
0xad: {  	_ =	task [dreg:s9], $0x5FFFF  }
0xae: {  	[dreg:$0x1] =	wrdreg $0xFFFFFFFF  }
0xaf: {  	[dreg:$0x0] =	wrdreg $0x60  }
0xb0: {  	[dreg:$0x2] =	wrdreg s2  }
0xb1: {  	[dreg:$0x3] =	wrdreg s19  }
0xb2: {  	[dreg:$0x4] =	wrdreg s4  }
0xb3: {  	[dreg:$0x5] =	wrdreg $0x9  }
0xb4: {  	_ =	task.clear_ibuf [dreg:s9], $0x6FFFF;
	_ =	strace $0x90000046  }
0xb5: {  	s29 =	simm.s32 $0x9;
	_ =	strace $0x80000048  }
0xb6: {  	_ =	swait.ge [sflag:s29], $0x1  }
0xb7: {  	[sflag:s29] =	ssyncadd.s32 $0xFFFFFFFF  }
0xb8: {  	_ =	strace $0x90000048  }
0xb9: {  	_ =	sfence  }
0xba: {  	s30 =	sld [smem:$0x0];
	_ =	sdelay $0x2  }
0xbb: {  	s31 =	sshll.u32 s1, $0xD;
	s1 =	sshrl.u32 s1, $0x2  }
0xbc: {  	s3 =	sand.u32 $0x4000, s31;
	s1 =	sadd.s32 s1, s30  }
0xbd: {  	s0 =	sor.u32 s3, s0;
	s1 =	sshll.u32 s1, $0x11  }
0xbe: {  	s0 =	sor.u32 s1, s0  }
0xbf: {  	s0 =	sadd.s32 $0x8F2B, s0  }
0xc0: {  	[sflag:s0] =	ssyncadd.remote.s32 $0x1  }
0xc1: {  	_ =	sfence.sel $0xFFFF  }
0xc2: {  	[dreg:$0x0] =	wrdreg $0xFFFFFFFF;
	(pc) =	sbr.abs _section_cstart, $3  }
0xc3: {  	[dreg:$0x1] =	wrdreg $0xFFFFFFFF  }
0xc4: {  	_ =	task.clear_ibuf [dreg:s9], $0x2FFFF;
	_ =	strace $0x9FFFFFFF  }
0xc5: {  	(tm) =	ssettm $0x7FFFFFFF  }
tec
execute0_lowered:
.L_overlay_start_1:
0x0: {  	(tag) =	ssettag $0x1  }
0x1: {  	s1 =	rddreg [dreg:$0x0];
	s0 =	srdreg.scid  }
0x2: {  	s6 =	rddreg [dreg:$0x1];
	s2 =	stileid.u32  }
0x3: {  	s4 =	rddreg [dreg:$0x2];
	s5 =	simm.s32 $0x0;
	s13 =	simm.s32 $0x11  }
0x4: {  	s15 =	simm.s32 $0x1;
	s16 =	simm.s32 $0x2;
	s0 =	sand.u32 $0x1, s0  }
0x5: {  	s2 =	sshll.u32 s2, $0x9;
	[smem:$0x7FF] =	sst s5;
	s9 =	sadd.s32 $0x100000, s1  }
0x6: {  	s10 =	sadd.s32 $0x200000, s1;
	_ =	strace $0x80000047;
	[dreg:$0x8] =	wrdreg s9  }
0x7: {  	s28 =	sadd.s32 $0x100000, s4;
	s3 =	sshll.u32 s0, $0x8;
	[dreg:$0x9] =	wrdreg s10  }
0x8: {  	s29 =	sadd.s32 $0x200000, s4;
	[dreg:$0x11] =	wrdreg s28;
	s2 =	sor.u32 s3, s2  }
0x9: {  	s17 =	simm.s32 $0x3;
	[dreg:$0x12] =	wrdreg s29;
	s8 =	sshll.u32 s2, $0x7  }
0xa: {  	s14 =	sadd.s32 $0x300000, s1;
	s9 =	sadd.s32 s8, s9;
	[dreg:$0x4] =	wrdreg s8  }
0xb: {  	s0 =	ssub.s32 $0x2, s0;
	s23 =	sadd.s32 s8, s10;
	[dreg:$0xa] =	wrdreg s9  }
0xc: {  	s20 =	sshrl.u32 s0, $0x1;
	s24 =	sadd.s32 s8, s14;
	[dreg:$0xb] =	wrdreg s23  }
0xd: {  	s0 =	ssub.s32 s0, s20;
	s22 =	sadd.s32 s1, s8;
	[dreg:$0xc] =	wrdreg s24  }
0xe: {  	s18 =	simm.s32 $0x4;
	s0 =	smax.u32 s0, $0x1;
	[dreg:$0x7] =	wrdreg s22  }
0xf: {  	s19 =	simm.s32 $0x12;
	s30 =	sor.u32 $0x800, s8;
	[dreg:$0x13] =	wrdreg s0  }
0x10: {  	s7 =	sor.u32 $0x400, s8;
	s21 =	sadd.s32 s6, s8;
	[dreg:$0x14] =	wrdreg s30  }
0x11: {  	s3 =	simm.s32 $0x8;
	s6 =	sadd.s32 s6, s7;
	[dreg:$0x5] =	wrdreg s21  }
0x12: {  	s20 =	sshrl.u32 s2, $0x3;
	s7 =	sadd.s32 s1, s7;
	[dreg:$0x6] =	wrdreg s6  }
.Ltmp0:
0x13: {  	s25 =	sadd.s32 $0x100400, s22;
	[dreg:$0xd] =	wrdreg s7;
	(pc) =	sbr.rel .LBB2_1-.Ltmp0, $4  }
0x14: {  	s26 =	sadd.s32 $0x200400, s22;
	s23 =	sadd.s32 $0x300000, s4;
	[dreg:$0xe] =	wrdreg s25  }
0x15: {  	s31 =	sadd.s32 $0xC00, s21;
	s24 =	simm.s32 $0x5;
	[dreg:$0xf] =	wrdreg s26  }
0x16: {  	s9 =	simm.s32 $0x7;
	s6 =	sadd.s32 $0x300400, s22;
	[dreg:$0x15] =	wrdreg s31  }
0x17: {  	s7 =	simm.s32 $0x6;
	[dreg:$0x10] =	wrdreg s6;
	s6 =	simm.s32 $0x0  }
.LBB2_20:
0x18: {  	s0 =	simm.s32 $0xD  }
0x19: {  	_ =	swait.ge [sflag:s0], $0x2000  }
0x1a: {  	[sflag:s0] =	ssyncset.done $0x0  }
0x1b: {  	s29 =	simm.s32 $0xE;
	[sflag:s0] =	ssyncadd.s32 $0xFFFFE000  }
0x1c: {  	_ =	swait.ge [sflag:s29], $0x2000  }
0x1d: {  	[sflag:s29] =	ssyncset.done $0x0  }
0x1e: {  	s30 =	simm.s32 $0xF;
	[sflag:s29] =	ssyncadd.s32 $0xFFFFE000  }
0x1f: {  	_ =	swait.ge [sflag:s30], $0x2000  }
0x20: {  	[sflag:s30] =	ssyncset.done $0x0  }
0x21: {  	s2 =	simm.s32 $0x10;
	[sflag:s30] =	ssyncadd.s32 $0xFFFFE000  }
0x22: {  	_ =	swait.ge [sflag:s2], $0x2000  }
0x23: {  	s6 =	rddreg [dreg:$0x16]  }
0x24: {  	s31 =	rddreg [dreg:$0x13];
	s6 =	sadd.s32 $0x1, s6  }
0x25: {  	p0 =	sne.s32 s6, s31  }
.Ltmp1:
0x26: {  	_ = 	snop;
	(pc) =	sbr.rel @!p0 .LBB2_21-.Ltmp1, $3  }
0x27: {  	_ =	sdelay $0x1  }
0x28: {  	[sflag:s2] =	ssyncset.done $0x0  }
0x29: {  	[sflag:s2] =	ssyncadd.s32 $0xFFFFE000  }
.LBB2_1:
0x2a: {  	[dreg:$0x16] =	wrdreg s6  }
0x2b: {  	s0 =	rddreg [dreg:$0x5];
	s2 =	simm.s32 $0x10000  }
0x2c: {  	[tilespmem:s2], [sflag:$0x11] =	stream.linear.gather [hbm4b:s0+s5], $0x2000, $0x38;
	[tilespmem:$0x14000] =	vst v63  }
0x2d: {  	s25 =	rddreg [dreg:$0x6];
	s26 =	simm.s32 $0x12000  }
0x2e: {  	[tilespmem:s26], [sflag:$0x12] =	stream.linear.gather [hbm4b:s25+s5], $0x2000, $0x38;
	[tilespmem:$0x14000] =	vst v63  }
0x2f: {  	s28 =	rddreg [dreg:$0x7]  }
0x30: {  	[tilespmem:s5], [sflag:$0x1] =	stream.linear.gather [hbm4b:s28+s5], $0x2000, $0x38;
	[tilespmem:$0x14000] =	vst v63  }
0x31: {  	s30 =	rddreg [dreg:$0xa];
	s31 =	simm.s32 $0x2000  }
0x32: {  	[tilespmem:s31], [sflag:$0x2] =	stream.linear.gather [hbm4b:s30+s5], $0x2000, $0x38;
	[tilespmem:$0x14000] =	vst v63  }
0x33: {  	s6 =	rddreg [dreg:$0xb];
	s8 =	simm.s32 $0x4000  }
0x34: {  	[tilespmem:s8], [sflag:$0x3] =	stream.linear.gather [hbm4b:s6+s5], $0x2000, $0x38;
	[tilespmem:$0x14000] =	vst v63  }
0x35: {  	s10 =	rddreg [dreg:$0xc];
	s11 =	simm.s32 $0x6000  }
0x36: {  	[tilespmem:s11], [sflag:$0x4] =	stream.linear.gather [hbm4b:s10+s5], $0x2000, $0x38;
	[tilespmem:$0x14000] =	vst v63  }
0x37: {  	s12 =	rddreg [dreg:$0xd];
	s21 =	simm.s32 $0x8000  }
0x38: {  	[tilespmem:s21], [sflag:$0x5] =	stream.linear.gather [hbm4b:s12+s5], $0x2000, $0x38;
	[tilespmem:$0x14000] =	vst v63  }
0x39: {  	s22 =	rddreg [dreg:$0xe];
	s25 =	simm.s32 $0xA000  }
0x3a: {  	[tilespmem:s25], [sflag:$0x6] =	stream.linear.gather [hbm4b:s22+s5], $0x2000, $0x38;
	[tilespmem:$0x14000] =	vst v63  }
0x3b: {  	s26 =	rddreg [dreg:$0xf];
	s28 =	simm.s32 $0xC000  }
0x3c: {  	[tilespmem:s28], [sflag:$0x7] =	stream.linear.gather [hbm4b:s26+s5], $0x2000, $0x38;
	[tilespmem:$0x14000] =	vst v63  }
0x3d: {  	s29 =	simm.s32 $0x0;
	s30 =	rddreg [dreg:$0x10];
	s31 =	simm.s32 $0xE000  }
0x3e: {  	[tilespmem:s31], [sflag:$0x8] =	stream.linear.gather [hbm4b:s30+s5], $0x2000, $0x38;
	[tilespmem:$0x14000] =	vst v63  }
.LBB2_2:
0x3f: {  	p0 =	seq.s32 s29, $0x0  }
0x40: {  	s0 =	simm.s32 @!p0 $0xD  }
0x41: {  	s30 =	sshllo.u32 s29, $0x1;
	_ =	swait.ge @!p0 [sflag:s0], $0x2000  }
0x42: {  	s2 =	sor.u32 @!p0 s20, s30;
	[sflag:s0] =	ssyncset.done @!p0 $0x0  }
0x43: {  	[sflag:s0] =	ssyncadd.s32 @!p0 $0xFFFFE000;
	s0 =	sshll.u32 @!p0 s2, $0xA  }
0x44: {  	s8 =	simm.s32 @!p0 $0x0;
	s12 =	simm.s32 @!p0 $0x8000;
	s2 =	sadd.s32 @!p0 s1, s0  }
0x45: {  	[tilespmem:s12], [sflag:$0x5] =	stream.linear.gather @!p0 [hbm4b:s2+s8], $0x2000, $0x38;
	[tilespmem:$0x14000] =	vst v63  }
0x46: {  	s2 =	simm.s32 @!p0 $0xE  }
0x47: {  	_ =	swait.ge @!p0 [sflag:s2], $0x2000  }
0x48: {  	s12 =	sor.u32 @!p0 $0x100000, s0;
	[sflag:s2] =	ssyncset.done @!p0 $0x0  }
0x49: {  	[sflag:s2] =	ssyncadd.s32 @!p0 $0xFFFFE000;
	s2 =	sadd.s32 @!p0 s1, s12;
	s12 =	simm.s32 @!p0 $0xA000  }
0x4a: {  	[tilespmem:s12], [sflag:$0x6] =	stream.linear.gather @!p0 [hbm4b:s2+s8], $0x2000, $0x38;
	[tilespmem:$0x14000] =	vst v63  }
0x4b: {  	s2 =	simm.s32 @!p0 $0xF  }
0x4c: {  	_ =	swait.ge @!p0 [sflag:s2], $0x2000  }
0x4d: {  	s12 =	sor.u32 @!p0 $0x200000, s0;
	[sflag:s2] =	ssyncset.done @!p0 $0x0  }
0x4e: {  	[sflag:s2] =	ssyncadd.s32 @!p0 $0xFFFFE000;
	s2 =	sadd.s32 @!p0 s1, s12;
	s12 =	simm.s32 @!p0 $0xC000  }
0x4f: {  	[tilespmem:s12], [sflag:$0x7] =	stream.linear.gather @!p0 [hbm4b:s2+s8], $0x2000, $0x38;
	[tilespmem:$0x14000] =	vst v63  }
0x50: {  	s2 =	simm.s32 @!p0 $0x10  }
0x51: {  	_ =	swait.ge @!p0 [sflag:s2], $0x2000  }
0x52: {  	[sflag:s2] =	ssyncset.done @!p0 $0x0  }
0x53: {  	s0 =	sadd.s32 @!p0 s0, s14;
	[sflag:s2] =	ssyncadd.s32 @!p0 $0xFFFFE000;
	s2 =	simm.s32 @!p0 $0xE000  }
0x54: {  	[tilespmem:s2], [sflag:$0x8] =	stream.linear.gather @!p0 [hbm4b:s0+s8], $0x2000, $0x38;
	[tilespmem:$0x14000] =	vst v63  }
0x55: {  	_ =	swait.ge [sflag:s13], $0x2000  }
0x56: {  	[sflag:s13] =	ssyncset.done $0x0  }
0x57: {  	s2 =	simm.s32 $0x0;
	[sflag:s13] =	ssyncadd.s32 $0xFFFFE000  }
0x58: {  	s12 =	sand.u32 $0x1C00, s2;
	_ =	swait.ge [sflag:s15], $0x2000  }
0x59: {  	s21 =	sor.u32 s12, s2;
	[sflag:s15] =	ssyncset.done $0x0  }
0x5a: {  	s22 =	sand.u32 $0x380, s2;
	s8 =	sor.u32 $0x70, s21;
	[sflag:s15] =	ssyncadd.s32 $0xFFFFE000  }
0x5b: {  	s26 =	sor.u32 s22, s12;
	v0 =	vld [tilespmem:s8+$0x10000]  }
0x5c: {  	v3 =	vld [tilespmem:s26+$0x10000]  }
0x5d: {  	v4 =	vld [tilespmem:s26+$0x10010]  }
0x5e: {  	v5 =	vld [tilespmem:s26+$0x10020]  }
0x5f: {  	v6 =	vld [tilespmem:s26+$0x10030]  }
0x60: {  	v2 =	vld [tilespmem:s26+$0x10040]  }
0x61: {  	v1 =	vld [tilespmem:s26+$0x10050]  }
0x62: {  	[tilespmem:s8+$0x0] =	vst.add.f32.msk $0xffff, v0  }
0x63: {  	v0 =	vld [tilespmem:s26+$0x10060]  }
0x64: {  	s0 =	sor.u32 $0x10, s26;
	[tilespmem:s26+$0x0] =	vst.add.f32.msk $0xffff, v3  }
0x65: {  	s25 =	sor.u32 $0x20, s26;
	[tilespmem:s0+$0x0] =	vst.add.f32.msk $0xffff, v4  }
0x66: {  	s28 =	sor.u32 $0x30, s26;
	s12 =	sor.u32 $0x40, s26;
	s31 =	sor.u32 $0x60, s26;
	[tilespmem:s25+$0x0] =	vst.add.f32.msk $0xffff, v5  }
0x67: {  	s0 =	simm.s32 $0x0;
	s8 =	sor.u32 $0x50, s26;
	[tilespmem:s28+$0x0] =	vst.add.f32.msk $0xffff, v6;
	s28 =	simm.s32 $0x400  }
.LBB2_3:
0x68: {  	s26 =	sand.u32 $0x1C00, s28;
	s0 =	sadd.s32 $0x8, s0;
	[tilespmem:s12+$0x0] =	vst.add.f32.msk $0xffff, v2;
	s2 =	sadd.s32 $0x10, s2  }
0x69: {  	s12 =	sand.u32 $0x380, s2;
	s6 =	sor.u32 s26, s2;
	p0 =	slt.u32 s0, $0x1F8;
	[tilespmem:s8+$0x0] =	vst.add.f32.msk $0xffff, v1  }
0x6a: {  	s26 =	sor.u32 s12, s26;
	s6 =	sor.u32 $0x70, s6;
	[tilespmem:s31+$0x0] =	vst.add.f32.msk $0xffff, v0  }
0x6b: {  	s10 =	sor.u32 $0x10, s26;
	s11 =	sor.u32 $0x20, s26;
	s21 =	sor.u32 $0x30, s26;
	v0 =	vld [tilespmem:s6+$0x10000]  }
0x6c: {  	s12 =	sor.u32 $0x40, s26;
	s8 =	sor.u32 $0x50, s26;
	s31 =	sor.u32 $0x60, s26;
	v3 =	vld [tilespmem:s26+$0x10000]  }
0x6d: {  	v4 =	vld [tilespmem:s26+$0x10010]  }
0x6e: {  	v5 =	vld [tilespmem:s26+$0x10020]  }
0x6f: {  	v6 =	vld [tilespmem:s26+$0x10030]  }
0x70: {  	[tilespmem:s6+$0x0] =	vst.add.f32.msk $0xffff, v0  }
0x71: {  	v2 =	vld [tilespmem:s26+$0x10040]  }
0x72: {  	v1 =	vld [tilespmem:s26+$0x10050]  }
.Ltmp2:
0x73: {  	v0 =	vld [tilespmem:s26+$0x10060];
	(pc) =	sbr.rel @p0 .LBB2_3-.Ltmp2, $4  }
0x74: {  	[tilespmem:s26+$0x0] =	vst.add.f32.msk $0xffff, v3  }
0x75: {  	[tilespmem:s10+$0x0] =	vst.add.f32.msk $0xffff, v4  }
0x76: {  	[tilespmem:s11+$0x0] =	vst.add.f32.msk $0xffff, v5  }
0x77: {  	s28 =	sadd.s32 $0x400, s28;
	[tilespmem:s21+$0x0] =	vst.add.f32.msk $0xffff, v6  }
0x78: {  	[tilespmem:s12+$0x0] =	vst.add.f32.msk $0xffff, v2  }
0x79: {  	[tilespmem:s8+$0x0] =	vst.add.f32.msk $0xffff, v1  }
0x7a: {  	[tilespmem:s31+$0x0] =	vst.add.f32.msk $0xffff, v0;
	s31 =	simm.s32 $0x0  }
0x7b: {  	_ =	swait.ge [sflag:s16], $0x2000;
	s0 =	sand.u32 $0x1C00, s31  }
0x7c: {  	[sflag:s16] =	ssyncset.done $0x0;
	s2 =	sor.u32 s0, s31  }
0x7d: {  	s6 =	sand.u32 $0x380, s31;
	[sflag:s16] =	ssyncadd.s32 $0xFFFFE000;
	s2 =	sor.u32 $0x70, s2  }
0x7e: {  	s0 =	sor.u32 s6, s0;
	v0 =	vld [tilespmem:s2+$0x10000]  }
0x7f: {  	v3 =	vld [tilespmem:s0+$0x10000]  }
0x80: {  	v4 =	vld [tilespmem:s0+$0x10010]  }
0x81: {  	v5 =	vld [tilespmem:s0+$0x10020]  }
0x82: {  	v6 =	vld [tilespmem:s0+$0x10030]  }
0x83: {  	v2 =	vld [tilespmem:s0+$0x10040]  }
0x84: {  	v1 =	vld [tilespmem:s0+$0x10050]  }
0x85: {  	[tilespmem:s2+$0x2000] =	vst.add.f32.msk $0xffff, v0  }
0x86: {  	s22 =	sor.u32 $0x2000, s0;
	v0 =	vld [tilespmem:s0+$0x10060]  }
0x87: {  	s6 =	sor.u32 $0x2010, s0;
	[tilespmem:s22+$0x0] =	vst.add.f32.msk $0xffff, v3  }
0x88: {  	s25 =	sor.u32 $0x2020, s0;
	[tilespmem:s6+$0x0] =	vst.add.f32.msk $0xffff, v4  }
0x89: {  	s26 =	sor.u32 $0x2030, s0;
	s28 =	sor.u32 $0x2040, s0;
	s12 =	sor.u32 $0x2050, s0;
	[tilespmem:s25+$0x0] =	vst.add.f32.msk $0xffff, v5  }
0x8a: {  	s8 =	sor.u32 $0x2060, s0;
	s2 =	simm.s32 $0x0;
	[tilespmem:s26+$0x0] =	vst.add.f32.msk $0xffff, v6;
	s0 =	simm.s32 $0x400  }
.LBB2_5:
0x8b: {  	s6 =	sand.u32 $0x1C00, s0;
	s2 =	sadd.s32 $0x8, s2;
	[tilespmem:s28+$0x0] =	vst.add.f32.msk $0xffff, v2;
	s31 =	sadd.s32 $0x10, s31  }
0x8c: {  	s10 =	sand.u32 $0x380, s31;
	s11 =	sor.u32 s6, s31;
	p0 =	slt.u32 s2, $0x1F8;
	[tilespmem:s12+$0x0] =	vst.add.f32.msk $0xffff, v1  }
0x8d: {  	s6 =	sor.u32 s10, s6;
	s10 =	sor.u32 $0x70, s11;
	[tilespmem:s8+$0x0] =	vst.add.f32.msk $0xffff, v0  }
0x8e: {  	s11 =	sor.u32 $0x2000, s6;
	s21 =	sor.u32 $0x2010, s6;
	s26 =	sor.u32 $0x2020, s6;
	v0 =	vld [tilespmem:s10+$0x10000]  }
0x8f: {  	s22 =	sor.u32 $0x2030, s6;
	s28 =	sor.u32 $0x2040, s6;
	s12 =	sor.u32 $0x2050, s6;
	v3 =	vld [tilespmem:s6+$0x10000]  }
0x90: {  	s8 =	sor.u32 $0x2060, s6;
	v4 =	vld [tilespmem:s6+$0x10010]  }
0x91: {  	v5 =	vld [tilespmem:s6+$0x10020]  }
0x92: {  	v6 =	vld [tilespmem:s6+$0x10030]  }
0x93: {  	[tilespmem:s10+$0x2000] =	vst.add.f32.msk $0xffff, v0  }
0x94: {  	v2 =	vld [tilespmem:s6+$0x10040]  }
0x95: {  	v1 =	vld [tilespmem:s6+$0x10050]  }
.Ltmp3:
0x96: {  	v0 =	vld [tilespmem:s6+$0x10060];
	(pc) =	sbr.rel @p0 .LBB2_5-.Ltmp3, $4  }
0x97: {  	[tilespmem:s11+$0x0] =	vst.add.f32.msk $0xffff, v3  }
0x98: {  	[tilespmem:s21+$0x0] =	vst.add.f32.msk $0xffff, v4  }
0x99: {  	[tilespmem:s26+$0x0] =	vst.add.f32.msk $0xffff, v5  }
0x9a: {  	s0 =	sadd.s32 $0x400, s0;
	[tilespmem:s22+$0x0] =	vst.add.f32.msk $0xffff, v6  }
0x9b: {  	[tilespmem:s28+$0x0] =	vst.add.f32.msk $0xffff, v2  }
0x9c: {  	[tilespmem:s12+$0x0] =	vst.add.f32.msk $0xffff, v1  }
0x9d: {  	[tilespmem:s8+$0x0] =	vst.add.f32.msk $0xffff, v0;
	s31 =	simm.s32 $0x0  }
0x9e: {  	_ =	swait.ge [sflag:s17], $0x2000;
	s0 =	sand.u32 $0x1C00, s31  }
0x9f: {  	[sflag:s17] =	ssyncset.done $0x0;
	s2 =	sor.u32 s0, s31  }
0xa0: {  	s6 =	sand.u32 $0x380, s31;
	[sflag:s17] =	ssyncadd.s32 $0xFFFFE000;
	s2 =	sor.u32 $0x70, s2  }
0xa1: {  	s0 =	sor.u32 s6, s0;
	v0 =	vld [tilespmem:s2+$0x10000]  }
0xa2: {  	v3 =	vld [tilespmem:s0+$0x10000]  }
0xa3: {  	v4 =	vld [tilespmem:s0+$0x10010]  }
0xa4: {  	v5 =	vld [tilespmem:s0+$0x10020]  }
0xa5: {  	v6 =	vld [tilespmem:s0+$0x10030]  }
0xa6: {  	v2 =	vld [tilespmem:s0+$0x10040]  }
0xa7: {  	v1 =	vld [tilespmem:s0+$0x10050]  }
0xa8: {  	[tilespmem:s2+$0x4000] =	vst.add.f32.msk $0xffff, v0  }
0xa9: {  	s22 =	sor.u32 $0x4000, s0;
	v0 =	vld [tilespmem:s0+$0x10060]  }
0xaa: {  	s6 =	sor.u32 $0x4010, s0;
	[tilespmem:s22+$0x0] =	vst.add.f32.msk $0xffff, v3  }
0xab: {  	s25 =	sor.u32 $0x4020, s0;
	[tilespmem:s6+$0x0] =	vst.add.f32.msk $0xffff, v4  }
0xac: {  	s26 =	sor.u32 $0x4030, s0;
	s28 =	sor.u32 $0x4040, s0;
	s12 =	sor.u32 $0x4050, s0;
	[tilespmem:s25+$0x0] =	vst.add.f32.msk $0xffff, v5  }
0xad: {  	s8 =	sor.u32 $0x4060, s0;
	s2 =	simm.s32 $0x0;
	[tilespmem:s26+$0x0] =	vst.add.f32.msk $0xffff, v6;
	s0 =	simm.s32 $0x400  }
.LBB2_7:
0xae: {  	s6 =	sand.u32 $0x1C00, s0;
	s2 =	sadd.s32 $0x8, s2;
	[tilespmem:s28+$0x0] =	vst.add.f32.msk $0xffff, v2;
	s31 =	sadd.s32 $0x10, s31  }
0xaf: {  	s10 =	sand.u32 $0x380, s31;
	s11 =	sor.u32 s6, s31;
	p0 =	slt.u32 s2, $0x1F8;
	[tilespmem:s12+$0x0] =	vst.add.f32.msk $0xffff, v1  }
0xb0: {  	s6 =	sor.u32 s10, s6;
	s10 =	sor.u32 $0x70, s11;
	[tilespmem:s8+$0x0] =	vst.add.f32.msk $0xffff, v0  }
0xb1: {  	s11 =	sor.u32 $0x4000, s6;
	s21 =	sor.u32 $0x4010, s6;
	s22 =	sor.u32 $0x4020, s6;
	v0 =	vld [tilespmem:s10+$0x10000]  }
0xb2: {  	s26 =	sor.u32 $0x4030, s6;
	s28 =	sor.u32 $0x4040, s6;
	s12 =	sor.u32 $0x4050, s6;
	v3 =	vld [tilespmem:s6+$0x10000]  }
0xb3: {  	s8 =	sor.u32 $0x4060, s6;
	v4 =	vld [tilespmem:s6+$0x10010]  }
0xb4: {  	v5 =	vld [tilespmem:s6+$0x10020]  }
0xb5: {  	v6 =	vld [tilespmem:s6+$0x10030]  }
0xb6: {  	[tilespmem:s10+$0x4000] =	vst.add.f32.msk $0xffff, v0  }
0xb7: {  	v2 =	vld [tilespmem:s6+$0x10040]  }
0xb8: {  	v1 =	vld [tilespmem:s6+$0x10050]  }
.Ltmp4:
0xb9: {  	v0 =	vld [tilespmem:s6+$0x10060];
	(pc) =	sbr.rel @p0 .LBB2_7-.Ltmp4, $4  }
0xba: {  	[tilespmem:s11+$0x0] =	vst.add.f32.msk $0xffff, v3  }
0xbb: {  	[tilespmem:s21+$0x0] =	vst.add.f32.msk $0xffff, v4  }
0xbc: {  	[tilespmem:s22+$0x0] =	vst.add.f32.msk $0xffff, v5  }
0xbd: {  	s0 =	sadd.s32 $0x400, s0;
	[tilespmem:s26+$0x0] =	vst.add.f32.msk $0xffff, v6  }
0xbe: {  	[tilespmem:s28+$0x0] =	vst.add.f32.msk $0xffff, v2  }
0xbf: {  	[tilespmem:s12+$0x0] =	vst.add.f32.msk $0xffff, v1  }
0xc0: {  	[tilespmem:s8+$0x0] =	vst.add.f32.msk $0xffff, v0;
	s31 =	simm.s32 $0x0  }
0xc1: {  	_ =	swait.ge [sflag:s18], $0x2000;
	s0 =	sand.u32 $0x1C00, s31  }
0xc2: {  	[sflag:s18] =	ssyncset.done $0x0;
	s2 =	sor.u32 s0, s31  }
0xc3: {  	s6 =	sand.u32 $0x380, s31;
	[sflag:s18] =	ssyncadd.s32 $0xFFFFE000;
	s2 =	sor.u32 $0x70, s2  }
0xc4: {  	s0 =	sor.u32 s6, s0;
	v0 =	vld [tilespmem:s2+$0x10000]  }
0xc5: {  	v3 =	vld [tilespmem:s0+$0x10000]  }
0xc6: {  	v4 =	vld [tilespmem:s0+$0x10010]  }
0xc7: {  	v5 =	vld [tilespmem:s0+$0x10020]  }
0xc8: {  	v6 =	vld [tilespmem:s0+$0x10030]  }
0xc9: {  	v2 =	vld [tilespmem:s0+$0x10040]  }
0xca: {  	v1 =	vld [tilespmem:s0+$0x10050]  }
0xcb: {  	[tilespmem:s2+$0x6000] =	vst.add.f32.msk $0xffff, v0  }
0xcc: {  	s22 =	sor.u32 $0x6000, s0;
	v0 =	vld [tilespmem:s0+$0x10060]  }
0xcd: {  	s6 =	sor.u32 $0x6010, s0;
	[tilespmem:s22+$0x0] =	vst.add.f32.msk $0xffff, v3  }
0xce: {  	s25 =	sor.u32 $0x6020, s0;
	[tilespmem:s6+$0x0] =	vst.add.f32.msk $0xffff, v4  }
0xcf: {  	s26 =	sor.u32 $0x6030, s0;
	s12 =	sor.u32 $0x6040, s0;
	s8 =	sor.u32 $0x6050, s0;
	[tilespmem:s25+$0x0] =	vst.add.f32.msk $0xffff, v5  }
0xd0: {  	s28 =	sor.u32 $0x6060, s0;
	s2 =	simm.s32 $0x0;
	[tilespmem:s26+$0x0] =	vst.add.f32.msk $0xffff, v6;
	s0 =	simm.s32 $0x400  }
.LBB2_9:
0xd1: {  	s6 =	sand.u32 $0x1C00, s0;
	s2 =	sadd.s32 $0x8, s2;
	[tilespmem:s12+$0x0] =	vst.add.f32.msk $0xffff, v2;
	s31 =	sadd.s32 $0x10, s31  }
0xd2: {  	s10 =	sand.u32 $0x380, s31;
	s11 =	sor.u32 s6, s31;
	p0 =	slt.u32 s2, $0x1F8;
	[tilespmem:s8+$0x0] =	vst.add.f32.msk $0xffff, v1  }
0xd3: {  	s6 =	sor.u32 s10, s6;
	s10 =	sor.u32 $0x70, s11;
	[tilespmem:s28+$0x0] =	vst.add.f32.msk $0xffff, v0  }
0xd4: {  	s11 =	sor.u32 $0x6000, s6;
	s21 =	sor.u32 $0x6010, s6;
	s22 =	sor.u32 $0x6020, s6;
	v0 =	vld [tilespmem:s10+$0x10000]  }
0xd5: {  	s26 =	sor.u32 $0x6030, s6;
	s12 =	sor.u32 $0x6040, s6;
	s8 =	sor.u32 $0x6050, s6;
	v3 =	vld [tilespmem:s6+$0x10000]  }
0xd6: {  	s28 =	sor.u32 $0x6060, s6;
	v4 =	vld [tilespmem:s6+$0x10010]  }
0xd7: {  	v5 =	vld [tilespmem:s6+$0x10020]  }
0xd8: {  	v6 =	vld [tilespmem:s6+$0x10030]  }
0xd9: {  	[tilespmem:s10+$0x6000] =	vst.add.f32.msk $0xffff, v0  }
0xda: {  	v2 =	vld [tilespmem:s6+$0x10040]  }
0xdb: {  	v1 =	vld [tilespmem:s6+$0x10050]  }
.Ltmp5:
0xdc: {  	v0 =	vld [tilespmem:s6+$0x10060];
	(pc) =	sbr.rel @p0 .LBB2_9-.Ltmp5, $4  }
0xdd: {  	[tilespmem:s11+$0x0] =	vst.add.f32.msk $0xffff, v3  }
0xde: {  	[tilespmem:s21+$0x0] =	vst.add.f32.msk $0xffff, v4  }
0xdf: {  	[tilespmem:s22+$0x0] =	vst.add.f32.msk $0xffff, v5  }
0xe0: {  	s0 =	sadd.s32 $0x400, s0;
	[tilespmem:s26+$0x0] =	vst.add.f32.msk $0xffff, v6  }
0xe1: {  	[tilespmem:s12+$0x0] =	vst.add.f32.msk $0xffff, v2  }
0xe2: {  	[tilespmem:s8+$0x0] =	vst.add.f32.msk $0xffff, v1  }
0xe3: {  	s31 =	sshll.u32 s29, $0xB;
	s0 =	rddreg [dreg:$0x4]  }
0xe4: {  	[tilespmem:s28+$0x0] =	vst.add.f32.msk $0xffff, v0;
	s0 =	sadd.s32 s0, s31  }
0xe5: {  	s26 =	rddreg [dreg:$0x11];
	s2 =	sadd.s32 s4, s0  }
0xe6: {  	[hbm4b:s2+s5] =	stream.linear.scatter [tilespmem:s5], [sflag:$0x9], $0x2000, $0x38;
	[tilespmem:$0x14000] =	vst v63  }
0xe7: {  	s6 =	simm.s32 $0x2000;
	s2 =	sadd.s32 s0, s26  }
0xe8: {  	[hbm4b:s2+s5] =	stream.linear.scatter [tilespmem:s6], [sflag:$0xA], $0x2000, $0x38;
	[tilespmem:$0x14000] =	vst v63  }
0xe9: {  	s6 =	rddreg [dreg:$0x12]  }
0xea: {  	s8 =	simm.s32 $0x4000;
	s2 =	sadd.s32 s0, s6  }
0xeb: {  	[hbm4b:s2+s5] =	stream.linear.scatter [tilespmem:s8], [sflag:$0xB], $0x2000, $0x38;
	[tilespmem:$0x14000] =	vst v63  }
0xec: {  	s10 =	simm.s32 $0x6000;
	s0 =	sadd.s32 s0, s23  }
0xed: {  	[hbm4b:s0+s5] =	stream.linear.scatter [tilespmem:s10], [sflag:$0xC], $0x2000, $0x38;
	[tilespmem:$0x14000] =	vst v63  }
0xee: {  	p0 =	sne.s32 s29, $0xF;
	s0 =	rddreg [dreg:$0x14]  }
0xef: {  	s2 =	rddreg [dreg:$0x1];
	s0 =	sadd.s32 @p0 s0, s31  }
0xf0: {  	s6 =	simm.s32 @p0 $0x0;
	s8 =	simm.s32 @p0 $0x10000;
	s2 =	sadd.s32 @p0 s2, s0  }
0xf1: {  	[tilespmem:s8], [sflag:$0x11] =	stream.linear.gather @p0 [hbm4b:s2+s6], $0x2000, $0x38;
	[tilespmem:$0x14000] =	vst v63  }
0xf2: {  	s2 =	simm.s32 @p0 $0x9  }
0xf3: {  	_ =	swait.ge @p0 [sflag:s2], $0x2000  }
0xf4: {  	[sflag:s2] =	ssyncset.done @p0 $0x0  }
0xf5: {  	[sflag:s2] =	ssyncadd.s32 @p0 $0xFFFFE000;
	s2 =	sadd.s32 @p0 s1, s0  }
0xf6: {  	[tilespmem:s6], [sflag:$0x1] =	stream.linear.gather @p0 [hbm4b:s2+s6], $0x2000, $0x38;
	[tilespmem:$0x14000] =	vst v63  }
0xf7: {  	s2 =	simm.s32 @p0 $0xA  }
0xf8: {  	_ =	swait.ge @p0 [sflag:s2], $0x2000  }
0xf9: {  	[sflag:s2] =	ssyncset.done @p0 $0x0  }
0xfa: {  	[sflag:s2] =	ssyncadd.s32 @p0 $0xFFFFE000;
	s2 =	rddreg [dreg:$0x8]  }
0xfb: {  	s8 =	simm.s32 @p0 $0x2000;
	s2 =	sadd.s32 @p0 s0, s2  }
0xfc: {  	[tilespmem:s8], [sflag:$0x2] =	stream.linear.gather @p0 [hbm4b:s2+s6], $0x2000, $0x38;
	[tilespmem:$0x14000] =	vst v63  }
0xfd: {  	s2 =	simm.s32 @p0 $0xB  }
0xfe: {  	_ =	swait.ge @p0 [sflag:s2], $0x2000  }
0xff: {  	[sflag:s2] =	ssyncset.done @p0 $0x0  }
0x100: {  	[sflag:s2] =	ssyncadd.s32 @p0 $0xFFFFE000;
	s2 =	rddreg [dreg:$0x9]  }
0x101: {  	s8 =	simm.s32 @p0 $0x4000;
	s2 =	sadd.s32 @p0 s0, s2  }
0x102: {  	[tilespmem:s8], [sflag:$0x3] =	stream.linear.gather @p0 [hbm4b:s2+s6], $0x2000, $0x38;
	[tilespmem:$0x14000] =	vst v63  }
0x103: {  	s2 =	simm.s32 @p0 $0xC  }
0x104: {  	_ =	swait.ge @p0 [sflag:s2], $0x2000  }
0x105: {  	[sflag:s2] =	ssyncset.done @p0 $0x0  }
0x106: {  	s0 =	sadd.s32 @p0 s0, s14;
	[sflag:s2] =	ssyncadd.s32 @p0 $0xFFFFE000;
	s2 =	simm.s32 @p0 $0x6000  }
0x107: {  	[tilespmem:s2], [sflag:$0x4] =	stream.linear.gather @p0 [hbm4b:s0+s6], $0x2000, $0x38;
	[tilespmem:$0x14000] =	vst v63  }
0x108: {  	s0 =	simm.s32 @!p0 $0x9  }
0x109: {  	_ =	swait.ge @!p0 [sflag:s0], $0x2000  }
0x10a: {  	[sflag:s0] =	ssyncset.done @!p0 $0x0  }
0x10b: {  	[sflag:s0] =	ssyncadd.s32 @!p0 $0xFFFFE000;
	s0 =	simm.s32 @!p0 $0xA  }
0x10c: {  	_ =	swait.ge @!p0 [sflag:s0], $0x2000  }
0x10d: {  	[sflag:s0] =	ssyncset.done @!p0 $0x0  }
0x10e: {  	[sflag:s0] =	ssyncadd.s32 @!p0 $0xFFFFE000;
	s0 =	simm.s32 @!p0 $0xB  }
0x10f: {  	_ =	swait.ge @!p0 [sflag:s0], $0x2000  }
0x110: {  	[sflag:s0] =	ssyncset.done @!p0 $0x0  }
0x111: {  	[sflag:s0] =	ssyncadd.s32 @!p0 $0xFFFFE000;
	s0 =	simm.s32 @!p0 $0xC  }
0x112: {  	_ =	swait.ge @!p0 [sflag:s0], $0x2000  }
0x113: {  	[sflag:s0] =	ssyncset.done @!p0 $0x0  }
0x114: {  	[sflag:s0] =	ssyncadd.s32 @!p0 $0xFFFFE000  }
0x115: {  	_ =	swait.ge [sflag:s19], $0x2000  }
0x116: {  	[sflag:s19] =	ssyncset.done $0x0  }
0x117: {  	s2 =	simm.s32 $0x0;
	[sflag:s19] =	ssyncadd.s32 $0xFFFFE000  }
0x118: {  	s11 =	sand.u32 $0x1C00, s2;
	_ =	swait.ge [sflag:s24], $0x2000  }
0x119: {  	s12 =	sor.u32 s11, s2;
	[sflag:s24] =	ssyncset.done $0x0  }
0x11a: {  	s21 =	sand.u32 $0x380, s2;
	s6 =	sor.u32 $0x70, s12;
	[sflag:s24] =	ssyncadd.s32 $0xFFFFE000  }
0x11b: {  	s8 =	sor.u32 s21, s11;
	v0 =	vld [tilespmem:s6+$0x12000]  }
0x11c: {  	v3 =	vld [tilespmem:s8+$0x12000]  }
0x11d: {  	v4 =	vld [tilespmem:s8+$0x12010]  }
0x11e: {  	v5 =	vld [tilespmem:s8+$0x12020]  }
0x11f: {  	v6 =	vld [tilespmem:s8+$0x12030]  }
0x120: {  	v2 =	vld [tilespmem:s8+$0x12040]  }
0x121: {  	v1 =	vld [tilespmem:s8+$0x12050]  }
0x122: {  	[tilespmem:s6+$0x8000] =	vst.add.f32.msk $0xffff, v0  }
0x123: {  	s0 =	sor.u32 $0x8000, s8;
	v0 =	vld [tilespmem:s8+$0x12060]  }
0x124: {  	s22 =	sor.u32 $0x8010, s8;
	[tilespmem:s0+$0x0] =	vst.add.f32.msk $0xffff, v3  }
0x125: {  	s10 =	sor.u32 $0x8020, s8;
	[tilespmem:s22+$0x0] =	vst.add.f32.msk $0xffff, v4  }
0x126: {  	s28 =	simm.s32 $0x400;
	s25 =	sor.u32 $0x8030, s8;
	s26 =	sor.u32 $0x8040, s8;
	[tilespmem:s10+$0x0] =	vst.add.f32.msk $0xffff, v5  }
0x127: {  	s12 =	sor.u32 $0x8050, s8;
	s0 =	simm.s32 $0x0;
	s8 =	sor.u32 $0x8060, s8;
	[tilespmem:s25+$0x0] =	vst.add.f32.msk $0xffff, v6  }
.LBB2_11:
0x128: {  	s6 =	sand.u32 $0x1C00, s28;
	s0 =	sadd.s32 $0x8, s0;
	[tilespmem:s26+$0x0] =	vst.add.f32.msk $0xffff, v2;
	s2 =	sadd.s32 $0x10, s2  }
0x129: {  	s10 =	sand.u32 $0x380, s2;
	s11 =	sor.u32 s6, s2;
	p0 =	slt.u32 s0, $0x1F8;
	[tilespmem:s12+$0x0] =	vst.add.f32.msk $0xffff, v1  }
0x12a: {  	s6 =	sor.u32 s10, s6;
	s10 =	sor.u32 $0x70, s11;
	[tilespmem:s8+$0x0] =	vst.add.f32.msk $0xffff, v0  }
0x12b: {  	s11 =	sor.u32 $0x8000, s6;
	s21 =	sor.u32 $0x8010, s6;
	s22 =	sor.u32 $0x8020, s6;
	v0 =	vld [tilespmem:s10+$0x12000]  }
0x12c: {  	s25 =	sor.u32 $0x8030, s6;
	s26 =	sor.u32 $0x8040, s6;
	s12 =	sor.u32 $0x8050, s6;
	v3 =	vld [tilespmem:s6+$0x12000]  }
0x12d: {  	s8 =	sor.u32 $0x8060, s6;
	v4 =	vld [tilespmem:s6+$0x12010]  }
0x12e: {  	v5 =	vld [tilespmem:s6+$0x12020]  }
0x12f: {  	v6 =	vld [tilespmem:s6+$0x12030]  }
0x130: {  	[tilespmem:s10+$0x8000] =	vst.add.f32.msk $0xffff, v0  }
0x131: {  	v2 =	vld [tilespmem:s6+$0x12040]  }
0x132: {  	v1 =	vld [tilespmem:s6+$0x12050]  }
.Ltmp6:
0x133: {  	v0 =	vld [tilespmem:s6+$0x12060];
	(pc) =	sbr.rel @p0 .LBB2_11-.Ltmp6, $4  }
0x134: {  	[tilespmem:s11+$0x0] =	vst.add.f32.msk $0xffff, v3  }
0x135: {  	[tilespmem:s21+$0x0] =	vst.add.f32.msk $0xffff, v4  }
0x136: {  	[tilespmem:s22+$0x0] =	vst.add.f32.msk $0xffff, v5  }
0x137: {  	s28 =	sadd.s32 $0x400, s28;
	[tilespmem:s25+$0x0] =	vst.add.f32.msk $0xffff, v6  }
0x138: {  	[tilespmem:s26+$0x0] =	vst.add.f32.msk $0xffff, v2  }
0x139: {  	[tilespmem:s12+$0x0] =	vst.add.f32.msk $0xffff, v1  }
0x13a: {  	[tilespmem:s8+$0x0] =	vst.add.f32.msk $0xffff, v0;
	s2 =	simm.s32 $0x0  }
0x13b: {  	_ =	swait.ge [sflag:s7], $0x2000;
	s0 =	sand.u32 $0x1C00, s2  }
0x13c: {  	[sflag:s7] =	ssyncset.done $0x0;
	s6 =	sor.u32 s0, s2  }
0x13d: {  	s21 =	sand.u32 $0x380, s2;
	[sflag:s7] =	ssyncadd.s32 $0xFFFFE000;
	s6 =	sor.u32 $0x70, s6  }
0x13e: {  	s8 =	sor.u32 s21, s0;
	v0 =	vld [tilespmem:s6+$0x12000]  }
0x13f: {  	v3 =	vld [tilespmem:s8+$0x12000]  }
0x140: {  	v4 =	vld [tilespmem:s8+$0x12010]  }
0x141: {  	v5 =	vld [tilespmem:s8+$0x12020]  }
0x142: {  	v6 =	vld [tilespmem:s8+$0x12030]  }
0x143: {  	v2 =	vld [tilespmem:s8+$0x12040]  }
0x144: {  	v1 =	vld [tilespmem:s8+$0x12050]  }
0x145: {  	[tilespmem:s6+$0xA000] =	vst.add.f32.msk $0xffff, v0  }
0x146: {  	s0 =	sor.u32 $0xA000, s8;
	v0 =	vld [tilespmem:s8+$0x12060]  }
0x147: {  	s22 =	sor.u32 $0xA010, s8;
	[tilespmem:s0+$0x0] =	vst.add.f32.msk $0xffff, v3  }
0x148: {  	s10 =	sor.u32 $0xA020, s8;
	[tilespmem:s22+$0x0] =	vst.add.f32.msk $0xffff, v4  }
0x149: {  	s28 =	simm.s32 $0x400;
	s25 =	sor.u32 $0xA030, s8;
	s26 =	sor.u32 $0xA040, s8;
	[tilespmem:s10+$0x0] =	vst.add.f32.msk $0xffff, v5  }
0x14a: {  	s12 =	sor.u32 $0xA050, s8;
	s0 =	simm.s32 $0x0;
	s8 =	sor.u32 $0xA060, s8;
	[tilespmem:s25+$0x0] =	vst.add.f32.msk $0xffff, v6  }
.LBB2_13:
0x14b: {  	s6 =	sand.u32 $0x1C00, s28;
	s0 =	sadd.s32 $0x8, s0;
	[tilespmem:s26+$0x0] =	vst.add.f32.msk $0xffff, v2;
	s2 =	sadd.s32 $0x10, s2  }
0x14c: {  	s10 =	sand.u32 $0x380, s2;
	s11 =	sor.u32 s6, s2;
	p0 =	slt.u32 s0, $0x1F8;
	[tilespmem:s12+$0x0] =	vst.add.f32.msk $0xffff, v1  }
0x14d: {  	s6 =	sor.u32 s10, s6;
	s10 =	sor.u32 $0x70, s11;
	[tilespmem:s8+$0x0] =	vst.add.f32.msk $0xffff, v0  }
0x14e: {  	s11 =	sor.u32 $0xA000, s6;
	s21 =	sor.u32 $0xA010, s6;
	s22 =	sor.u32 $0xA020, s6;
	v0 =	vld [tilespmem:s10+$0x12000]  }
0x14f: {  	s25 =	sor.u32 $0xA030, s6;
	s26 =	sor.u32 $0xA040, s6;
	s12 =	sor.u32 $0xA050, s6;
	v3 =	vld [tilespmem:s6+$0x12000]  }
0x150: {  	s8 =	sor.u32 $0xA060, s6;
	v4 =	vld [tilespmem:s6+$0x12010]  }
0x151: {  	v5 =	vld [tilespmem:s6+$0x12020]  }
0x152: {  	v6 =	vld [tilespmem:s6+$0x12030]  }
0x153: {  	[tilespmem:s10+$0xA000] =	vst.add.f32.msk $0xffff, v0  }
0x154: {  	v2 =	vld [tilespmem:s6+$0x12040]  }
0x155: {  	v1 =	vld [tilespmem:s6+$0x12050]  }
.Ltmp7:
0x156: {  	v0 =	vld [tilespmem:s6+$0x12060];
	(pc) =	sbr.rel @p0 .LBB2_13-.Ltmp7, $4  }
0x157: {  	[tilespmem:s11+$0x0] =	vst.add.f32.msk $0xffff, v3  }
0x158: {  	[tilespmem:s21+$0x0] =	vst.add.f32.msk $0xffff, v4  }
0x159: {  	[tilespmem:s22+$0x0] =	vst.add.f32.msk $0xffff, v5  }
0x15a: {  	s28 =	sadd.s32 $0x400, s28;
	[tilespmem:s25+$0x0] =	vst.add.f32.msk $0xffff, v6  }
0x15b: {  	[tilespmem:s26+$0x0] =	vst.add.f32.msk $0xffff, v2  }
0x15c: {  	[tilespmem:s12+$0x0] =	vst.add.f32.msk $0xffff, v1  }
0x15d: {  	[tilespmem:s8+$0x0] =	vst.add.f32.msk $0xffff, v0;
	s2 =	simm.s32 $0x0  }
0x15e: {  	_ =	swait.ge [sflag:s9], $0x2000;
	s0 =	sand.u32 $0x1C00, s2  }
0x15f: {  	[sflag:s9] =	ssyncset.done $0x0;
	s6 =	sor.u32 s0, s2  }
0x160: {  	s21 =	sand.u32 $0x380, s2;
	[sflag:s9] =	ssyncadd.s32 $0xFFFFE000;
	s6 =	sor.u32 $0x70, s6  }
0x161: {  	s8 =	sor.u32 s21, s0;
	v0 =	vld [tilespmem:s6+$0x12000]  }
0x162: {  	v3 =	vld [tilespmem:s8+$0x12000]  }
0x163: {  	v4 =	vld [tilespmem:s8+$0x12010]  }
0x164: {  	v5 =	vld [tilespmem:s8+$0x12020]  }
0x165: {  	v6 =	vld [tilespmem:s8+$0x12030]  }
0x166: {  	v2 =	vld [tilespmem:s8+$0x12040]  }
0x167: {  	v1 =	vld [tilespmem:s8+$0x12050]  }
0x168: {  	[tilespmem:s6+$0xC000] =	vst.add.f32.msk $0xffff, v0  }
0x169: {  	s0 =	sor.u32 $0xC000, s8;
	v0 =	vld [tilespmem:s8+$0x12060]  }
0x16a: {  	s22 =	sor.u32 $0xC010, s8;
	[tilespmem:s0+$0x0] =	vst.add.f32.msk $0xffff, v3  }
0x16b: {  	s10 =	sor.u32 $0xC020, s8;
	[tilespmem:s22+$0x0] =	vst.add.f32.msk $0xffff, v4  }
0x16c: {  	s28 =	simm.s32 $0x400;
	s25 =	sor.u32 $0xC030, s8;
	s26 =	sor.u32 $0xC040, s8;
	[tilespmem:s10+$0x0] =	vst.add.f32.msk $0xffff, v5  }
0x16d: {  	s12 =	sor.u32 $0xC050, s8;
	s0 =	simm.s32 $0x0;
	s8 =	sor.u32 $0xC060, s8;
	[tilespmem:s25+$0x0] =	vst.add.f32.msk $0xffff, v6  }
.LBB2_15:
0x16e: {  	s6 =	sand.u32 $0x1C00, s28;
	s0 =	sadd.s32 $0x8, s0;
	[tilespmem:s26+$0x0] =	vst.add.f32.msk $0xffff, v2;
	s2 =	sadd.s32 $0x10, s2  }
0x16f: {  	s10 =	sand.u32 $0x380, s2;
	s11 =	sor.u32 s6, s2;
	p0 =	slt.u32 s0, $0x1F8;
	[tilespmem:s12+$0x0] =	vst.add.f32.msk $0xffff, v1  }
0x170: {  	s6 =	sor.u32 s10, s6;
	s10 =	sor.u32 $0x70, s11;
	[tilespmem:s8+$0x0] =	vst.add.f32.msk $0xffff, v0  }
0x171: {  	s11 =	sor.u32 $0xC000, s6;
	s21 =	sor.u32 $0xC010, s6;
	s22 =	sor.u32 $0xC020, s6;
	v0 =	vld [tilespmem:s10+$0x12000]  }
0x172: {  	s25 =	sor.u32 $0xC030, s6;
	s26 =	sor.u32 $0xC040, s6;
	s12 =	sor.u32 $0xC050, s6;
	v3 =	vld [tilespmem:s6+$0x12000]  }
0x173: {  	s8 =	sor.u32 $0xC060, s6;
	v4 =	vld [tilespmem:s6+$0x12010]  }
0x174: {  	v5 =	vld [tilespmem:s6+$0x12020]  }
0x175: {  	v6 =	vld [tilespmem:s6+$0x12030]  }
0x176: {  	[tilespmem:s10+$0xC000] =	vst.add.f32.msk $0xffff, v0  }
0x177: {  	v2 =	vld [tilespmem:s6+$0x12040]  }
0x178: {  	v1 =	vld [tilespmem:s6+$0x12050]  }
.Ltmp8:
0x179: {  	v0 =	vld [tilespmem:s6+$0x12060];
	(pc) =	sbr.rel @p0 .LBB2_15-.Ltmp8, $4  }
0x17a: {  	[tilespmem:s11+$0x0] =	vst.add.f32.msk $0xffff, v3  }
0x17b: {  	[tilespmem:s21+$0x0] =	vst.add.f32.msk $0xffff, v4  }
0x17c: {  	[tilespmem:s22+$0x0] =	vst.add.f32.msk $0xffff, v5  }
0x17d: {  	s28 =	sadd.s32 $0x400, s28;
	[tilespmem:s25+$0x0] =	vst.add.f32.msk $0xffff, v6  }
0x17e: {  	[tilespmem:s26+$0x0] =	vst.add.f32.msk $0xffff, v2  }
0x17f: {  	[tilespmem:s12+$0x0] =	vst.add.f32.msk $0xffff, v1  }
0x180: {  	[tilespmem:s8+$0x0] =	vst.add.f32.msk $0xffff, v0;
	s2 =	simm.s32 $0x0  }
0x181: {  	_ =	swait.ge [sflag:s3], $0x2000;
	s0 =	sand.u32 $0x1C00, s2  }
0x182: {  	[sflag:s3] =	ssyncset.done $0x0;
	s6 =	sor.u32 s0, s2  }
0x183: {  	s21 =	sand.u32 $0x380, s2;
	[sflag:s3] =	ssyncadd.s32 $0xFFFFE000;
	s6 =	sor.u32 $0x70, s6  }
0x184: {  	s8 =	sor.u32 s21, s0;
	v0 =	vld [tilespmem:s6+$0x12000]  }
0x185: {  	v3 =	vld [tilespmem:s8+$0x12000]  }
0x186: {  	v4 =	vld [tilespmem:s8+$0x12010]  }
0x187: {  	v5 =	vld [tilespmem:s8+$0x12020]  }
0x188: {  	v6 =	vld [tilespmem:s8+$0x12030]  }
0x189: {  	v2 =	vld [tilespmem:s8+$0x12040]  }
0x18a: {  	v1 =	vld [tilespmem:s8+$0x12050]  }
0x18b: {  	[tilespmem:s6+$0xE000] =	vst.add.f32.msk $0xffff, v0  }
0x18c: {  	s0 =	sor.u32 $0xE000, s8;
	v0 =	vld [tilespmem:s8+$0x12060]  }
0x18d: {  	s22 =	sor.u32 $0xE010, s8;
	[tilespmem:s0+$0x0] =	vst.add.f32.msk $0xffff, v3  }
0x18e: {  	s10 =	sor.u32 $0xE020, s8;
	[tilespmem:s22+$0x0] =	vst.add.f32.msk $0xffff, v4  }
0x18f: {  	s28 =	simm.s32 $0x400;
	s25 =	sor.u32 $0xE030, s8;
	s26 =	sor.u32 $0xE040, s8;
	[tilespmem:s10+$0x0] =	vst.add.f32.msk $0xffff, v5  }
0x190: {  	s12 =	sor.u32 $0xE050, s8;
	s0 =	simm.s32 $0x0;
	s8 =	sor.u32 $0xE060, s8;
	[tilespmem:s25+$0x0] =	vst.add.f32.msk $0xffff, v6  }
.LBB2_17:
0x191: {  	s6 =	sand.u32 $0x1C00, s28;
	s0 =	sadd.s32 $0x8, s0;
	[tilespmem:s26+$0x0] =	vst.add.f32.msk $0xffff, v2;
	s2 =	sadd.s32 $0x10, s2  }
0x192: {  	s10 =	sand.u32 $0x380, s2;
	s11 =	sor.u32 s6, s2;
	p0 =	slt.u32 s0, $0x1F8;
	[tilespmem:s12+$0x0] =	vst.add.f32.msk $0xffff, v1  }
0x193: {  	s6 =	sor.u32 s10, s6;
	s10 =	sor.u32 $0x70, s11;
	[tilespmem:s8+$0x0] =	vst.add.f32.msk $0xffff, v0  }
0x194: {  	s11 =	sor.u32 $0xE000, s6;
	s21 =	sor.u32 $0xE010, s6;
	s22 =	sor.u32 $0xE020, s6;
	v0 =	vld [tilespmem:s10+$0x12000]  }
0x195: {  	s25 =	sor.u32 $0xE030, s6;
	s26 =	sor.u32 $0xE040, s6;
	s12 =	sor.u32 $0xE050, s6;
	v3 =	vld [tilespmem:s6+$0x12000]  }
0x196: {  	s8 =	sor.u32 $0xE060, s6;
	v4 =	vld [tilespmem:s6+$0x12010]  }
0x197: {  	v5 =	vld [tilespmem:s6+$0x12020]  }
0x198: {  	v6 =	vld [tilespmem:s6+$0x12030]  }
0x199: {  	[tilespmem:s10+$0xE000] =	vst.add.f32.msk $0xffff, v0  }
0x19a: {  	v2 =	vld [tilespmem:s6+$0x12040]  }
0x19b: {  	v1 =	vld [tilespmem:s6+$0x12050]  }
.Ltmp9:
0x19c: {  	v0 =	vld [tilespmem:s6+$0x12060];
	(pc) =	sbr.rel @p0 .LBB2_17-.Ltmp9, $4  }
0x19d: {  	[tilespmem:s11+$0x0] =	vst.add.f32.msk $0xffff, v3  }
0x19e: {  	[tilespmem:s21+$0x0] =	vst.add.f32.msk $0xffff, v4  }
0x19f: {  	[tilespmem:s22+$0x0] =	vst.add.f32.msk $0xffff, v5  }
0x1a0: {  	s28 =	sadd.s32 $0x400, s28;
	[tilespmem:s25+$0x0] =	vst.add.f32.msk $0xffff, v6  }
0x1a1: {  	[tilespmem:s26+$0x0] =	vst.add.f32.msk $0xffff, v2;
	s0 =	sor.u32 s20, s30  }
0x1a2: {  	[tilespmem:s12+$0x0] =	vst.add.f32.msk $0xffff, v1;
	s0 =	sshll.u32 s0, $0xA  }
0x1a3: {  	[tilespmem:s8+$0x0] =	vst.add.f32.msk $0xffff, v0;
	s6 =	simm.s32 $0x8000;
	s2 =	sadd.s32 s4, s0;
	s22 =	sor.u32 $0x100000, s0  }
0x1a4: {  	[hbm4b:s2+s5] =	stream.linear.scatter [tilespmem:s6], [sflag:$0xD], $0x2000, $0x38;
	[tilespmem:$0x14000] =	vst v63  }
0x1a5: {  	s25 =	simm.s32 $0xA000;
	p0 =	seq.s32 s29, $0xF;
	s2 =	sadd.s32 s4, s22  }
0x1a6: {  	[hbm4b:s2+s5] =	stream.linear.scatter [tilespmem:s25], [sflag:$0xE], $0x2000, $0x38;
	[tilespmem:$0x14000] =	vst v63  }
.Ltmp10:
0x1a7: {  	s26 =	sor.u32 $0x200000, s0;
	(pc) =	sbr.rel @p0 .LBB2_20-.Ltmp10, $4  }
0x1a8: {  	s28 =	simm.s32 $0xC000;
	s2 =	sadd.s32 s4, s26  }
0x1a9: {  	[hbm4b:s2+s5] =	stream.linear.scatter [tilespmem:s28], [sflag:$0xF], $0x2000, $0x38;
	[tilespmem:$0x14000] =	vst v63  }
0x1aa: {  	s30 =	simm.s32 $0xE000;
	s0 =	sadd.s32 s0, s23  }
0x1ab: {  	[hbm4b:s0+s5] =	stream.linear.scatter [tilespmem:s30], [sflag:$0x10], $0x2000, $0x38;
	[tilespmem:$0x14000] =	vst v63  }
.Ltmp11:
0x1ac: {  	(pc) =	sbr.rel .LBB2_2-.Ltmp11, $4  }
0x1ad: {  	_ = 	snop  }
0x1ae: {  	s0 =	rddreg [dreg:$0x15]  }
0x1af: {  	s2 =	simm.s32 $0x12000;
	s29 =	sadd.s32 $0x1, s29;
	s0 =	sadd.s32 s0, s31  }
0x1b0: {  	[tilespmem:s2], [sflag:$0x12] =	stream.linear.gather [hbm4b:s0+s5], $0x2000, $0x38;
	[tilespmem:$0x14000] =	vst v63  }
.LBB2_21:
0x1b1: {  	_ =	sfence.sel $0x180000  }
0x1b2: {  	[bflag:$0x0] =	sbarrier.arrive $0xFFFF  }
0x1b3: {  	_ =	strace $0x90000047  }
0x1b4: {  	s0 =	stileid.u32;
	[bflag:$0x2] =	sbarrier.arrive $0xFFFF  }
0x1b5: {  	p0 =	sne.s32 s0, $0x0;
	s0 =	rddreg [dreg:$0x3]  }
0x1b6: {  	s0 =	sadd.s32 @!p0 $0x100000, s0  }
0x1b7: {  	[sflag:s0] =	ssyncadd.tile.s32 @!p0 $0x1;
	_ =	shalt  }
.Lfunc_end2:
_tile_overlayer_lowered:
.L_overlay_start_2:
0x1b8: {  	(tag) =	ssettag $0x2  }
0x1b9: {  	s0 =	rddreg [dreg:$0x0];
	s2 =	stileid.u32  }
0x1ba: {  	s1 =	rddreg [dreg:$0x1];
	p0 =	sne.s32 s2, $0x0  }
0x1bb: {  	s3 =	rddreg [dreg:$0x2];
	[bflag:$0x3] =	sbarrier.arrive $0xFFFF;
	s2 =	simm.s32 @!p0 $0x1C13  }
0x1bc: {  	[timem:s3], [sflag:s2] =	dma.local @!p0 [hbm:s0], s1  }
0x1bd: {  	s0 =	simm.s32 @!p0 $0x13  }
0x1be: {  	_ =	swait.ge @!p0 [sflag:s0], s1  }
0x1bf: {  	s1 =	ssub.s32 @!p0 $0x0, s1;
	[sflag:s0] =	ssyncset.done @!p0 $0x0  }
0x1c0: {  	[sflag:s0] =	ssyncadd.s32 @!p0 s1  }
0x1c1: {  	[bflag:$0x3] =	sbarrier.arrive $0xFFFF  }
0x1c2: {  	_ =	shalt  }

</sc_bundles>
